<compile_context>
chip_gen: v7x
topology: tpu7x:2x2x1
jax: 0.10.2.dev20260603
libtpu: 0.0.44.dev20260713+nightly
codegen_flags: <defaults>
</compile_context>

<pallas_src>
import functools

import jax
import jax.numpy as jnp
from jax import lax
from jax.experimental import pallas as pl
from jax.experimental.pallas import tpu as pltpu
from jax.experimental.pallas import tpu_sc as plsc

NC = 2
NS = 16
NW = NC * NS

N = 10000
E = 320000
D = 128
H = 32

CHUNK = 128
K = 81
T = K * CHUNK
EP = NW * T
NP = 10240
NPK = NP // 128
NPH = NP * H // 128
NB = 3

_mesh = plsc.VectorSubcoreMesh(core_axis_name="c", subcore_axis_name="s")


@functools.partial(
    pl.kernel,
    out_type=jax.ShapeDtypeStruct((NC, NP), jnp.float32),
    mesh=_mesh,
    compiler_params=pltpu.CompilerParams(use_tc_tiling_on_sc=False),
    scratch_types=[
        pltpu.VMEM((K, CHUNK), jnp.int32),
        pltpu.VMEM((CHUNK,), jnp.float32),
        pltpu.VMEM_SHARED((NP,), jnp.float32),
    ],
)
def _sc_deg(dst_hbm, ones_hbm, zeros_hbm, out_hbm, dst_v, ones_v, acc_sh):
    c = lax.axis_index("c")
    s = lax.axis_index("s")
    wid = c * NS + s
    rp = NP // NS
    pltpu.sync_copy(dst_hbm.at[wid], dst_v)
    pltpu.sync_copy(ones_hbm, ones_v)
    pltpu.sync_copy(zeros_hbm.at[pl.ds(s * rp, rp)],
                    acc_sh.at[pl.ds(s * rp, rp)])
    plsc.subcore_barrier()

    def step(j, _):
        pltpu.sync_copy(ones_v, acc_sh.at[dst_v.at[j]], add=True)
        return ()

    lax.fori_loop(0, K, step, ())
    plsc.subcore_barrier()

    pltpu.sync_copy(acc_sh.at[pl.ds(s * rp, rp)],
                    out_hbm.at[c].at[pl.ds(s * rp, rp)])


@functools.partial(
    pl.kernel,
    out_type=jax.ShapeDtypeStruct((NC, NP, H), jnp.float32),
    mesh=_mesh,
    compiler_params=pltpu.CompilerParams(use_tc_tiling_on_sc=False),
    scratch_types=[
        pltpu.VMEM((K, CHUNK), jnp.int32),
        pltpu.VMEM((K, CHUNK), jnp.int32),
        pltpu.VMEM((NB, CHUNK, H), jnp.float32),
        pltpu.VMEM_SHARED((NP, H), jnp.float32),
        pltpu.VMEM_SHARED((NP, H), jnp.float32),
        pltpu.SemaphoreType.DMA,
        pltpu.SemaphoreType.DMA,
        pltpu.SemaphoreType.DMA,
    ],
)
def _sc_agg1(src_hbm, dst_hbm, p1_hbm, zeros_hbm, out_hbm,
             src_v, dst_v, rows_v, p1_sh, acc_sh, sem0, sem1, sem2):
    c = lax.axis_index("c")
    s = lax.axis_index("s")
    wid = c * NS + s
    rp = NP // NS
    sems = [sem0, sem1, sem2]
    pltpu.sync_copy(src_hbm.at[wid], src_v)
    pltpu.sync_copy(dst_hbm.at[wid], dst_v)
    pltpu.sync_copy(p1_hbm.at[pl.ds(s * rp, rp)],
                    p1_sh.at[pl.ds(s * rp, rp)])
    pltpu.sync_copy(zeros_hbm.at[pl.ds(s * rp, rp)],
                    acc_sh.at[pl.ds(s * rp, rp)])
    plsc.subcore_barrier()

    for b in range(NB):
        pltpu.async_copy(p1_sh.at[src_v.at[b]], rows_v.at[b], sems[b])

    def outer(g, _):
        for b in range(NB):
            j = g * NB + b
            pltpu.make_async_copy(p1_sh.at[src_v.at[j]],
                                  rows_v.at[b], sems[b]).wait()
            pltpu.sync_copy(rows_v.at[b], acc_sh.at[dst_v.at[j]], add=True)
            nj = j + NB

            @pl.when(nj < K)
            def _():
                pltpu.async_copy(p1_sh.at[src_v.at[nj]], rows_v.at[b],
                                 sems[b])
        return ()

    lax.fori_loop(0, K // NB, outer, ())
    plsc.subcore_barrier()

    pltpu.sync_copy(acc_sh.at[pl.ds(s * rp, rp)],
                    out_hbm.at[c].at[pl.ds(s * rp, rp)])


@functools.partial(
    pl.kernel,
    out_type=jax.ShapeDtypeStruct((NC, NP), jnp.float32),
    mesh=_mesh,
    compiler_params=pltpu.CompilerParams(use_tc_tiling_on_sc=False),
    scratch_types=[
        pltpu.VMEM((K, CHUNK), jnp.int32),
        pltpu.VMEM((K, CHUNK), jnp.int32),
        pltpu.VMEM((NB, CHUNK), jnp.float32),
        pltpu.VMEM_SHARED((NP,), jnp.float32),
        pltpu.VMEM_SHARED((NP,), jnp.float32),
        pltpu.SemaphoreType.DMA,
        pltpu.SemaphoreType.DMA,
        pltpu.SemaphoreType.DMA,
    ],
)
def _sc_agg2(src_hbm, dst_hbm, p2_hbm, zeros_hbm, out_hbm,
             src_v, dst_v, rows_v, p2_sh, acc_sh, sem0, sem1, sem2):
    c = lax.axis_index("c")
    s = lax.axis_index("s")
    wid = c * NS + s
    rp = NP // NS
    sems = [sem0, sem1, sem2]
    pltpu.sync_copy(src_hbm.at[wid], src_v)
    pltpu.sync_copy(dst_hbm.at[wid], dst_v)
    pltpu.sync_copy(p2_hbm.at[pl.ds(s * rp, rp)],
                    p2_sh.at[pl.ds(s * rp, rp)])
    pltpu.sync_copy(zeros_hbm.at[pl.ds(s * rp, rp)],
                    acc_sh.at[pl.ds(s * rp, rp)])
    plsc.subcore_barrier()

    for b in range(NB):
        pltpu.async_copy(p2_sh.at[src_v.at[b]], rows_v.at[b], sems[b])

    def outer(g, _):
        for b in range(NB):
            j = g * NB + b
            pltpu.make_async_copy(p2_sh.at[src_v.at[j]],
                                  rows_v.at[b], sems[b]).wait()
            pltpu.sync_copy(rows_v.at[b], acc_sh.at[dst_v.at[j]], add=True)
            nj = j + NB

            @pl.when(nj < K)
            def _():
                pltpu.async_copy(p2_sh.at[src_v.at[nj]], rows_v.at[b],
                                 sems[b])
        return ()

    lax.fori_loop(0, K // NB, outer, ())
    plsc.subcore_barrier()

    pltpu.sync_copy(acc_sh.at[pl.ds(s * rp, rp)],
                    out_hbm.at[c].at[pl.ds(s * rp, rp)])


def _tc_u_body(x_ref, w1blk_ref, u_ref):
    u = jnp.dot(x_ref[pl.ds(0, NPH), :], w1blk_ref[pl.ds(0, D), :],
                preferred_element_type=jnp.float32)
    for a in range(1, 4):
        u += jnp.dot(x_ref[pl.ds(a * NPH, NPH), :],
                     w1blk_ref[pl.ds(a * D, D), :],
                     preferred_element_type=jnp.float32)
    u_ref[...] = u


def _tc_a_body(degexp_ref, degpk_ref, u_ref, p1pk_ref, dexp_ref, dpk_ref):
    dexp = lax.rsqrt(jnp.maximum(degexp_ref[...], 1.0))
    dexp_ref[...] = dexp
    dpk_ref[...] = lax.rsqrt(
        jnp.maximum(degpk_ref[0] + degpk_ref[1], 1.0))
    p1pk_ref[...] = u_ref[...] * dexp


def _tc_b_body(s1pk_ref, dexp_ref, b1t_ref, m_ref, p2pk_ref):
    s1 = s1pk_ref[0] + s1pk_ref[1]
    h = jnp.maximum(s1 * dexp_ref[...] + b1t_ref[...], 0.0)
    p2pk_ref[...] = jnp.dot(h, m_ref[...],
                            preferred_element_type=jnp.float32) * dexp_ref[...]


def _tc_c_body(s2pk_ref, dpk_ref, b2_ref, out_ref):
    s2 = s2pk_ref[0] + s2pk_ref[1]
    out_ref[...] = s2 * dpk_ref[...] + b2_ref[...]


def kernel(x, edge_index, W1, b1, W2, b2):
    src = edge_index[0]
    dst = edge_index[1]
    pad = EP - E - NP
    loop = jnp.arange(NP, dtype=jnp.int32)
    padv = N + (jnp.arange(pad, dtype=jnp.int32) % (NP - N))
    src_a = jnp.concatenate([src, loop, padv])
    dst_a = jnp.concatenate([dst, loop, padv])

    def _pi(v):
        blk = ((v >= NPH).astype(jnp.int32)
               + (v >= 2 * NPH).astype(jnp.int32)
               + (v >= 3 * NPH).astype(jnp.int32))
        return v * 4 - blk * (4 * NPH - 1)

    src_p = _pi(src_a).reshape(NW, K, CHUNK)
    dst_p = _pi(dst_a).reshape(NW, K, CHUNK)
    x_p = jnp.pad(x, ((0, NP - N), (0, 0)))

    ones_c = jnp.ones((CHUNK,), jnp.float32)
    zeros_n = jnp.zeros((NP,), jnp.float32)
    zeros_nh = jnp.zeros((NP, H), jnp.float32)

    degT = _sc_deg(dst_p, ones_c, zeros_n)
    degpk = degT.reshape(NC, NPK, CHUNK)
    deg_pi = degT[0] + degT[1]
    degexp = jnp.repeat(deg_pi.reshape(NPH, 4), H, axis=1)

    w1blk = jnp.kron(jnp.eye(4, dtype=jnp.float32), W1)

    u_pk = pl.pallas_call(
        _tc_u_body,
        out_shape=jax.ShapeDtypeStruct((NPH, CHUNK), jnp.float32),
    )(x_p, w1blk)

    p1pk, dexp, d_pk = pl.pallas_call(
        _tc_a_body,
        out_shape=(jax.ShapeDtypeStruct((NPH, CHUNK), jnp.float32),
                   jax.ShapeDtypeStruct((NPH, CHUNK), jnp.float32),
                   jax.ShapeDtypeStruct((NPK, CHUNK), jnp.float32)),
    )(degexp, degpk, u_pk)

    s1p = _sc_agg1(src_p, dst_p, p1pk.reshape(NP, H), zeros_nh)
    s1pk = s1p.reshape(NC, NPH, CHUNK)

    b1t = jnp.tile(b1, 4).reshape(1, CHUNK)
    m_blk = jnp.kron(jnp.eye(4, dtype=jnp.float32),
                     jnp.tile(W2, (1, H)))

    p2pk = pl.pallas_call(
        _tc_b_body,
        out_shape=jax.ShapeDtypeStruct((NPH, CHUNK), jnp.float32),
    )(s1pk, dexp, b1t, m_blk)

    p2_flat = p2pk.reshape(NP, H)[:, 0]

    s2T = _sc_agg2(src_p, dst_p, p2_flat, zeros_n)
    s2pk = s2T.reshape(NC, NPK, CHUNK)

    outpk = pl.pallas_call(
        _tc_c_body,
        out_shape=jax.ShapeDtypeStruct((NPK, CHUNK), jnp.float32),
    )(s2pk, d_pk, b2.reshape(1, 1))

    out_n = outpk.reshape(NPH, 4).T.reshape(NP)
    return out_n[:N]

# --- scband reference (transcript-rebuilt; emitter-appended) ---
"""Pipeline reference for scband-basic-gcn-28776280883362 (READ-ONLY COPY).

The authoritative reference and input builder live on the scoring server;
editing this copy changes nothing except your own understanding.
"""

import jax, jax.numpy as jnp
import numpy as np


def gcn_conv(x, edge_index, W, b):
    # Faithful PyG GCNConv: add self-loops, symmetric normalization, linear, scatter-add, bias.
    n = x.shape[0]
    loop = jnp.arange(n, dtype=edge_index.dtype)
    src = jnp.concatenate([edge_index[0], loop])
    dst = jnp.concatenate([edge_index[1], loop])
    deg = jnp.zeros((n,), dtype=x.dtype).at[dst].add(1.0)
    deg_inv_sqrt = jnp.where(deg > 0, jax.lax.rsqrt(jnp.maximum(deg, 1e-12)), 0.0)
    norm = deg_inv_sqrt[src] * deg_inv_sqrt[dst]
    h = x @ W
    msg = h[src] * norm[:, None]
    out = jnp.zeros((n, W.shape[1]), dtype=x.dtype).at[dst].add(msg)
    return out + b


def setup_inputs(seed: int = 0) -> dict:
    key = jax.random.key(seed)
    k1, k2, k3, k4 = jax.random.split(key, 4)
    N, E, D, H = 10000, 320000, 128, 32
    x = jax.random.normal(k1, (N, D), dtype=jnp.float32)
    edge_index = jax.random.randint(k2, (2, E), 0, N, dtype=jnp.int32)
    W1 = jax.random.normal(k3, (D, H), dtype=jnp.float32) * (1.0 / np.sqrt(D))
    b1 = jnp.zeros((H,), dtype=jnp.float32)
    W2 = jax.random.normal(k4, (H, 1), dtype=jnp.float32) * (1.0 / np.sqrt(H))
    b2 = jnp.zeros((1,), dtype=jnp.float32)
    return {"x": x, "edge_index": edge_index, "W1": W1, "b1": b1, "W2": W2, "b2": b2}


def reference(x, edge_index, W1, b1, W2, b2):
    h = jax.nn.relu(gcn_conv(x, edge_index, W1, b1))
    out = gcn_conv(h, edge_index, W2, b2)
    return out.reshape(-1)

if __name__ == "__main__":
    import jax
    _d = setup_inputs()
    print(jax.jit(kernel)(*tuple(_d.values())))

</pallas_src>

<mosaic_0001>
#map = affine_map<(d0, d1) -> (0, 0, 0)>
#map1 = affine_map<(d0, d1) -> (0)>
#map2 = affine_map<(d0, d1) -> (0, 0)>
module attributes {stable_mosaic.version = 14 : i64} {
  func.func @_sc_deg(%arg0: i32, %arg1: i32, %arg2: memref<32x81x128xi32, #tpu.memory_space<hbm>>, %arg3: memref<128xf32, #tpu.memory_space<hbm>>, %arg4: memref<10240xf32, #tpu.memory_space<hbm>>, %arg5: memref<2x10240xf32, #tpu.memory_space<hbm>>, %arg6: memref<81x128xi32, #tpu.memory_space<vmem>>, %arg7: memref<128xf32, #tpu.memory_space<vmem>>, %arg8: memref<10240xf32, #tpu.memory_space<vmem_shared>>) attributes {dimension_semantics = [#tpu.dimension_semantics<core_parallel>, #tpu.dimension_semantics<subcore_parallel>], iteration_bounds = array<i64: 2, 16>, scalar_prefetch = 0 : i64, scratch_operands = 3 : i64, tpu.core_type = #tpu.core_type<sc_vector_subcore>, window_params = [{transform_indices = #map}, {transform_indices = #map1}, {transform_indices = #map1}, {transform_indices = #map2}]} {
    %mul3A = arith.constant 16 : i32
    %mul3A_0 = arith.muli %arg0, %mul3A : i32
    %add3A = arith.addi %mul3A_0, %arg1 : i32
    "tpu.region"() ({
      %run_scoped3A = tpu.sem_alloc : memref<!tpu.dma_semaphore, #tpu.memory_space<semaphore_mem>>
      %dma_start3A = arith.constant 0 : i32
      %dma_start3A_14 = arith.constant 0 : i32
      %dma_start3A_15 = tpu.memref_slice %arg2[%add3A, %dma_start3A, %dma_start3A_14] : memref<32x81x128xi32, #tpu.memory_space<hbm>> -> memref<1x81x128xi32, #tpu.memory_space<hbm>>
      %dma_start3A_16 = tpu.memref_squeeze %dma_start3A_15 : memref<1x81x128xi32, #tpu.memory_space<hbm>> -> memref<81x128xi32, #tpu.memory_space<hbm>>
      %dma_start3A_17 = arith.constant 0 : i32
      %dma_start3A_18 = arith.constant 0 : i32
      %dma_start3A_19 = tpu.memref_slice %arg2[%add3A, %dma_start3A_17, %dma_start3A_18] : memref<32x81x128xi32, #tpu.memory_space<hbm>> -> memref<1x81x128xi32, #tpu.memory_space<hbm>>
      %dma_start3A_20 = tpu.memref_squeeze %dma_start3A_19 : memref<1x81x128xi32, #tpu.memory_space<hbm>> -> memref<81x128xi32, #tpu.memory_space<hbm>>
      tpu.enqueue_dma source(%dma_start3A_20 : memref<81x128xi32, #tpu.memory_space<hbm>>) target(%arg6 : memref<81x128xi32, #tpu.memory_space<vmem>>) target_semaphore(%run_scoped3A : memref<!tpu.dma_semaphore, #tpu.memory_space<semaphore_mem>>)
      %dma_wait3A = arith.constant 0 : i32
      %dma_wait3A_21 = arith.constant 0 : i32
      %dma_wait3A_22 = tpu.memref_slice %arg2[%add3A, %dma_wait3A, %dma_wait3A_21] : memref<32x81x128xi32, #tpu.memory_space<hbm>> -> memref<1x81x128xi32, #tpu.memory_space<hbm>>
      %dma_wait3A_23 = tpu.memref_squeeze %dma_wait3A_22 : memref<1x81x128xi32, #tpu.memory_space<hbm>> -> memref<81x128xi32, #tpu.memory_space<hbm>>
      %dma_wait3A_24 = arith.constant 0 : i32
      %dma_wait3A_25 = arith.constant 0 : i32
      %dma_wait3A_26 = tpu.memref_slice %arg2[%add3A, %dma_wait3A_24, %dma_wait3A_25] : memref<32x81x128xi32, #tpu.memory_space<hbm>> -> memref<1x81x128xi32, #tpu.memory_space<hbm>>
      %dma_wait3A_27 = tpu.memref_squeeze %dma_wait3A_26 : memref<1x81x128xi32, #tpu.memory_space<hbm>> -> memref<81x128xi32, #tpu.memory_space<hbm>>
      tpu.wait_dma2 semaphore(%run_scoped3A : memref<!tpu.dma_semaphore, #tpu.memory_space<semaphore_mem>>) src(%dma_wait3A_27 : memref<81x128xi32, #tpu.memory_space<hbm>>) dst(%arg6 : memref<81x128xi32, #tpu.memory_space<vmem>>)
      tpu.yield
    }) : () -> ()
    "tpu.region"() ({
      %run_scoped3A = tpu.sem_alloc : memref<!tpu.dma_semaphore, #tpu.memory_space<semaphore_mem>>
      tpu.enqueue_dma source(%arg3 : memref<128xf32, #tpu.memory_space<hbm>>) target(%arg7 : memref<128xf32, #tpu.memory_space<vmem>>) target_semaphore(%run_scoped3A : memref<!tpu.dma_semaphore, #tpu.memory_space<semaphore_mem>>)
      tpu.wait_dma2 semaphore(%run_scoped3A : memref<!tpu.dma_semaphore, #tpu.memory_space<semaphore_mem>>) src(%arg3 : memref<128xf32, #tpu.memory_space<hbm>>) dst(%arg7 : memref<128xf32, #tpu.memory_space<vmem>>)
      tpu.yield
    }) : () -> ()
    %mul3A_1 = arith.constant 640 : i32
    %mul3A_2 = arith.muli %arg1, %mul3A_1 : i32
    %mul3A_3 = arith.constant 640 : i32
    %mul3A_4 = arith.muli %arg1, %mul3A_3 : i32
    "tpu.region"() ({
      %run_scoped3A = tpu.sem_alloc : memref<!tpu.dma_semaphore, #tpu.memory_space<semaphore_mem>>
      %dma_start3A = tpu.memref_slice %arg8[%mul3A_4] : memref<10240xf32, #tpu.memory_space<vmem_shared>> -> memref<640xf32, #tpu.memory_space<vmem_shared>>
      %dma_start3A_14 = tpu.memref_slice %arg4[%mul3A_2] : memref<10240xf32, #tpu.memory_space<hbm>> -> memref<640xf32, #tpu.memory_space<hbm>>
      tpu.enqueue_dma source(%dma_start3A_14 : memref<640xf32, #tpu.memory_space<hbm>>) target(%dma_start3A : memref<640xf32, #tpu.memory_space<vmem_shared>>) target_semaphore(%run_scoped3A : memref<!tpu.dma_semaphore, #tpu.memory_space<semaphore_mem>>)
      %dma_wait3A = tpu.memref_slice %arg8[%mul3A_4] : memref<10240xf32, #tpu.memory_space<vmem_shared>> -> memref<640xf32, #tpu.memory_space<vmem_shared>>
      %dma_wait3A_15 = tpu.memref_slice %arg4[%mul3A_2] : memref<10240xf32, #tpu.memory_space<hbm>> -> memref<640xf32, #tpu.memory_space<hbm>>
      tpu.wait_dma2 semaphore(%run_scoped3A : memref<!tpu.dma_semaphore, #tpu.memory_space<semaphore_mem>>) src(%dma_wait3A_15 : memref<640xf32, #tpu.memory_space<hbm>>) dst(%dma_wait3A : memref<640xf32, #tpu.memory_space<vmem_shared>>)
      tpu.yield
    }) : () -> ()
    %barrier3A = arith.constant 0 : index
    tpu.barrier barrier_id(%barrier3A)
    %scan3A = arith.constant 0 : i32
    %scan3A_5 = arith.constant 81 : i32
    %scan3A_6 = arith.addi %scan3A, %scan3A_5 : i32
    %scan3A_7 = arith.constant 1 : i32
    scf.for %scan3A_14 = %scan3A to %scan3A_6 step %scan3A_7  : i32 {
      "tpu.region"() ({
        %run_scoped3A = tpu.sem_alloc : memref<!tpu.dma_semaphore, #tpu.memory_space<semaphore_mem>>
        %dma_start3A = arith.constant 0 : i32
        %dma_start3A_15 = tpu.memref_slice %arg6[%scan3A_14, %dma_start3A] : memref<81x128xi32, #tpu.memory_space<vmem>> -> memref<1x128xi32, #tpu.memory_space<vmem>>
        %dma_start3A_16 = tpu.memref_squeeze %dma_start3A_15 : memref<1x128xi32, #tpu.memory_space<vmem>> -> memref<128xi32, #tpu.memory_space<vmem>>
        %dma_start3A_17 = arith.constant 0 : i32
        %dma_start3A_18 = tpu.memref_slice %arg8[%dma_start3A_17] : memref<10240xf32, #tpu.memory_space<vmem_shared>> -> memref<10240xf32, #tpu.memory_space<vmem_shared>>
        tpu.enqueue_indirect_dma source(%arg7 : memref<128xf32, #tpu.memory_space<vmem>>) target(%dma_start3A_18 : memref<10240xf32, #tpu.memory_space<vmem_shared>>) offsets(%dma_start3A_16 : memref<128xi32, #tpu.memory_space<vmem>>) semaphore(%run_scoped3A : memref<!tpu.dma_semaphore, #tpu.memory_space<semaphore_mem>>) {add = true}
        %dma_wait3A = arith.constant 0 : i32
        %dma_wait3A_19 = tpu.memref_slice %arg6[%scan3A_14, %dma_wait3A] : memref<81x128xi32, #tpu.memory_space<vmem>> -> memref<1x128xi32, #tpu.memory_space<vmem>>
        %dma_wait3A_20 = tpu.memref_squeeze %dma_wait3A_19 : memref<1x128xi32, #tpu.memory_space<vmem>> -> memref<128xi32, #tpu.memory_space<vmem>>
        %dma_wait3A_21 = arith.constant 0 : i32
        %dma_wait3A_22 = tpu.memref_slice %arg8[%dma_wait3A_21] : memref<10240xf32, #tpu.memory_space<vmem_shared>> -> memref<10240xf32, #tpu.memory_space<vmem_shared>>
        tpu.wait_indirect_dma semaphore(%run_scoped3A : memref<!tpu.dma_semaphore, #tpu.memory_space<semaphore_mem>>) src(%arg7 : memref<128xf32, #tpu.memory_space<vmem>>) dst(%dma_wait3A_22 : memref<10240xf32, #tpu.memory_space<vmem_shared>>)
        tpu.yield
      }) : () -> ()
    }
    %scan3A_8 = arith.constant 81 : i32
    %barrier3A_9 = arith.constant 0 : index
    tpu.barrier barrier_id(%barrier3A_9)
    %mul3A_10 = arith.constant 640 : i32
    %mul3A_11 = arith.muli %arg1, %mul3A_10 : i32
    %mul3A_12 = arith.constant 640 : i32
    %mul3A_13 = arith.muli %arg1, %mul3A_12 : i32
    "tpu.region"() ({
      %run_scoped3A = tpu.sem_alloc : memref<!tpu.dma_semaphore, #tpu.memory_space<semaphore_mem>>
      %dma_start3A = arith.constant 0 : i32
      %dma_start3A_14 = tpu.memref_slice %arg5[%arg0, %dma_start3A] : memref<2x10240xf32, #tpu.memory_space<hbm>> -> memref<1x10240xf32, #tpu.memory_space<hbm>>
      %dma_start3A_15 = tpu.memref_squeeze %dma_start3A_14 : memref<1x10240xf32, #tpu.memory_space<hbm>> -> memref<10240xf32, #tpu.memory_space<hbm>>
      %dma_start3A_16 = tpu.memref_slice %dma_start3A_15[%mul3A_13] : memref<10240xf32, #tpu.memory_space<hbm>> -> memref<640xf32, #tpu.memory_space<hbm>>
      %dma_start3A_17 = tpu.memref_slice %arg8[%mul3A_11] : memref<10240xf32, #tpu.memory_space<vmem_shared>> -> memref<640xf32, #tpu.memory_space<vmem_shared>>
      tpu.enqueue_dma source(%dma_start3A_17 : memref<640xf32, #tpu.memory_space<vmem_shared>>) target(%dma_start3A_16 : memref<640xf32, #tpu.memory_space<hbm>>) target_semaphore(%run_scoped3A : memref<!tpu.dma_semaphore, #tpu.memory_space<semaphore_mem>>)
      %dma_wait3A = arith.constant 0 : i32
      %dma_wait3A_18 = tpu.memref_slice %arg5[%arg0, %dma_wait3A] : memref<2x10240xf32, #tpu.memory_space<hbm>> -> memref<1x10240xf32, #tpu.memory_space<hbm>>
      %dma_wait3A_19 = tpu.memref_squeeze %dma_wait3A_18 : memref<1x10240xf32, #tpu.memory_space<hbm>> -> memref<10240xf32, #tpu.memory_space<hbm>>
      %dma_wait3A_20 = tpu.memref_slice %dma_wait3A_19[%mul3A_13] : memref<10240xf32, #tpu.memory_space<hbm>> -> memref<640xf32, #tpu.memory_space<hbm>>
      %dma_wait3A_21 = tpu.memref_slice %arg8[%mul3A_11] : memref<10240xf32, #tpu.memory_space<vmem_shared>> -> memref<640xf32, #tpu.memory_space<vmem_shared>>
      tpu.wait_dma2 semaphore(%run_scoped3A : memref<!tpu.dma_semaphore, #tpu.memory_space<semaphore_mem>>) src(%dma_wait3A_21 : memref<640xf32, #tpu.memory_space<vmem_shared>>) dst(%dma_wait3A_20 : memref<640xf32, #tpu.memory_space<hbm>>)
      tpu.yield
    }) : () -> ()
    return
  }
}

#map = affine_map<(d0, d1) -> (0, 0, 0)>
#map1 = affine_map<(d0, d1) -> (0)>
#map2 = affine_map<(d0, d1) -> (0, 0)>
module attributes {stable_mosaic.version = 14 : i64} {
  func.func @_sc_agg2(%arg0: i32, %arg1: i32, %arg2: memref<32x81x128xi32, #tpu.memory_space<hbm>>, %arg3: memref<32x81x128xi32, #tpu.memory_space<hbm>>, %arg4: memref<10240xf32, #tpu.memory_space<hbm>>, %arg5: memref<10240xf32, #tpu.memory_space<hbm>>, %arg6: memref<2x10240xf32, #tpu.memory_space<hbm>>, %arg7: memref<81x128xi32, #tpu.memory_space<vmem>>, %arg8: memref<81x128xi32, #tpu.memory_space<vmem>>, %arg9: memref<3x128xf32, #tpu.memory_space<vmem>>, %arg10: memref<10240xf32, #tpu.memory_space<vmem_shared>>, %arg11: memref<10240xf32, #tpu.memory_space<vmem_shared>>, %arg12: memref<!tpu.dma_semaphore, #tpu.memory_space<semaphore_mem>>, %arg13: memref<!tpu.dma_semaphore, #tpu.memory_space<semaphore_mem>>, %arg14: memref<!tpu.dma_semaphore, #tpu.memory_space<semaphore_mem>>) attributes {dimension_semantics = [#tpu.dimension_semantics<core_parallel>, #tpu.dimension_semantics<subcore_parallel>], iteration_bounds = array<i64: 2, 16>, scalar_prefetch = 0 : i64, scratch_operands = 8 : i64, tpu.core_type = #tpu.core_type<sc_vector_subcore>, window_params = [{transform_indices = #map}, {transform_indices = #map}, {transform_indices = #map1}, {transform_indices = #map1}, {transform_indices = #map2}]} {
    %mul3A = arith.constant 16 : i32
    %mul3A_0 = arith.muli %arg0, %mul3A : i32
    %add3A = arith.addi %mul3A_0, %arg1 : i32
    "tpu.region"() ({
      %run_scoped3A = tpu.sem_alloc : memref<!tpu.dma_semaphore, #tpu.memory_space<semaphore_mem>>
      %dma_start3A_47 = arith.constant 0 : i32
      %dma_start3A_48 = arith.constant 0 : i32
      %dma_start3A_49 = tpu.memref_slice %arg2[%add3A, %dma_start3A_47, %dma_start3A_48] : memref<32x81x128xi32, #tpu.memory_space<hbm>> -> memref<1x81x128xi32, #tpu.memory_space<hbm>>
      %dma_start3A_50 = tpu.memref_squeeze %dma_start3A_49 : memref<1x81x128xi32, #tpu.memory_space<hbm>> -> memref<81x128xi32, #tpu.memory_space<hbm>>
      %dma_start3A_51 = arith.constant 0 : i32
      %dma_start3A_52 = arith.constant 0 : i32
      %dma_start3A_53 = tpu.memref_slice %arg2[%add3A, %dma_start3A_51, %dma_start3A_52] : memref<32x81x128xi32, #tpu.memory_space<hbm>> -> memref<1x81x128xi32, #tpu.memory_space<hbm>>
      %dma_start3A_54 = tpu.memref_squeeze %dma_start3A_53 : memref<1x81x128xi32, #tpu.memory_space<hbm>> -> memref<81x128xi32, #tpu.memory_space<hbm>>
      tpu.enqueue_dma source(%dma_start3A_54 : memref<81x128xi32, #tpu.memory_space<hbm>>) target(%arg7 : memref<81x128xi32, #tpu.memory_space<vmem>>) target_semaphore(%run_scoped3A : memref<!tpu.dma_semaphore, #tpu.memory_space<semaphore_mem>>)
      %dma_wait3A = arith.constant 0 : i32
      %dma_wait3A_55 = arith.constant 0 : i32
      %dma_wait3A_56 = tpu.memref_slice %arg2[%add3A, %dma_wait3A, %dma_wait3A_55] : memref<32x81x128xi32, #tpu.memory_space<hbm>> -> memref<1x81x128xi32, #tpu.memory_space<hbm>>
      %dma_wait3A_57 = tpu.memref_squeeze %dma_wait3A_56 : memref<1x81x128xi32, #tpu.memory_space<hbm>> -> memref<81x128xi32, #tpu.memory_space<hbm>>
      %dma_wait3A_58 = arith.constant 0 : i32
      %dma_wait3A_59 = arith.constant 0 : i32
      %dma_wait3A_60 = tpu.memref_slice %arg2[%add3A, %dma_wait3A_58, %dma_wait3A_59] : memref<32x81x128xi32, #tpu.memory_space<hbm>> -> memref<1x81x128xi32, #tpu.memory_space<hbm>>
      %dma_wait3A_61 = tpu.memref_squeeze %dma_wait3A_60 : memref<1x81x128xi32, #tpu.memory_space<hbm>> -> memref<81x128xi32, #tpu.memory_space<hbm>>
      tpu.wait_dma2 semaphore(%run_scoped3A : memref<!tpu.dma_semaphore, #tpu.memory_space<semaphore_mem>>) src(%dma_wait3A_61 : memref<81x128xi32, #tpu.memory_space<hbm>>) dst(%arg7 : memref<81x128xi32, #tpu.memory_space<vmem>>)
      tpu.yield
    }) : () -> ()
    "tpu.region"() ({
      %run_scoped3A = tpu.sem_alloc : memref<!tpu.dma_semaphore, #tpu.memory_space<semaphore_mem>>
      %dma_start3A_47 = arith.constant 0 : i32
      %dma_start3A_48 = arith.constant 0 : i32
      %dma_start3A_49 = tpu.memref_slice %arg3[%add3A, %dma_start3A_47, %dma_start3A_48] : memref<32x81x128xi32, #tpu.memory_space<hbm>> -> memref<1x81x128xi32, #tpu.memory_space<hbm>>
      %dma_start3A_50 = tpu.memref_squeeze %dma_start3A_49 : memref<1x81x128xi32, #tpu.memory_space<hbm>> -> memref<81x128xi32, #tpu.memory_space<hbm>>
      %dma_start3A_51 = arith.constant 0 : i32
      %dma_start3A_52 = arith.constant 0 : i32
      %dma_start3A_53 = tpu.memref_slice %arg3[%add3A, %dma_start3A_51, %dma_start3A_52] : memref<32x81x128xi32, #tpu.memory_space<hbm>> -> memref<1x81x128xi32, #tpu.memory_space<hbm>>
      %dma_start3A_54 = tpu.memref_squeeze %dma_start3A_53 : memref<1x81x128xi32, #tpu.memory_space<hbm>> -> memref<81x128xi32, #tpu.memory_space<hbm>>
      tpu.enqueue_dma source(%dma_start3A_54 : memref<81x128xi32, #tpu.memory_space<hbm>>) target(%arg8 : memref<81x128xi32, #tpu.memory_space<vmem>>) target_semaphore(%run_scoped3A : memref<!tpu.dma_semaphore, #tpu.memory_space<semaphore_mem>>)
      %dma_wait3A = arith.constant 0 : i32
      %dma_wait3A_55 = arith.constant 0 : i32
      %dma_wait3A_56 = tpu.memref_slice %arg3[%add3A, %dma_wait3A, %dma_wait3A_55] : memref<32x81x128xi32, #tpu.memory_space<hbm>> -> memref<1x81x128xi32, #tpu.memory_space<hbm>>
      %dma_wait3A_57 = tpu.memref_squeeze %dma_wait3A_56 : memref<1x81x128xi32, #tpu.memory_space<hbm>> -> memref<81x128xi32, #tpu.memory_space<hbm>>
      %dma_wait3A_58 = arith.constant 0 : i32
      %dma_wait3A_59 = arith.constant 0 : i32
      %dma_wait3A_60 = tpu.memref_slice %arg3[%add3A, %dma_wait3A_58, %dma_wait3A_59] : memref<32x81x128xi32, #tpu.memory_space<hbm>> -> memref<1x81x128xi32, #tpu.memory_space<hbm>>
      %dma_wait3A_61 = tpu.memref_squeeze %dma_wait3A_60 : memref<1x81x128xi32, #tpu.memory_space<hbm>> -> memref<81x128xi32, #tpu.memory_space<hbm>>
      tpu.wait_dma2 semaphore(%run_scoped3A : memref<!tpu.dma_semaphore, #tpu.memory_space<semaphore_mem>>) src(%dma_wait3A_61 : memref<81x128xi32, #tpu.memory_space<hbm>>) dst(%arg8 : memref<81x128xi32, #tpu.memory_space<vmem>>)
      tpu.yield
    }) : () -> ()
    %mul3A_1 = arith.constant 640 : i32
    %mul3A_2 = arith.muli %arg1, %mul3A_1 : i32
    %mul3A_3 = arith.constant 640 : i32
    %mul3A_4 = arith.muli %arg1, %mul3A_3 : i32
    "tpu.region"() ({
      %run_scoped3A = tpu.sem_alloc : memref<!tpu.dma_semaphore, #tpu.memory_space<semaphore_mem>>
      %dma_start3A_47 = tpu.memref_slice %arg10[%mul3A_4] : memref<10240xf32, #tpu.memory_space<vmem_shared>> -> memref<640xf32, #tpu.memory_space<vmem_shared>>
      %dma_start3A_48 = tpu.memref_slice %arg4[%mul3A_2] : memref<10240xf32, #tpu.memory_space<hbm>> -> memref<640xf32, #tpu.memory_space<hbm>>
      tpu.enqueue_dma source(%dma_start3A_48 : memref<640xf32, #tpu.memory_space<hbm>>) target(%dma_start3A_47 : memref<640xf32, #tpu.memory_space<vmem_shared>>) target_semaphore(%run_scoped3A : memref<!tpu.dma_semaphore, #tpu.memory_space<semaphore_mem>>)
      %dma_wait3A = tpu.memref_slice %arg10[%mul3A_4] : memref<10240xf32, #tpu.memory_space<vmem_shared>> -> memref<640xf32, #tpu.memory_space<vmem_shared>>
      %dma_wait3A_49 = tpu.memref_slice %arg4[%mul3A_2] : memref<10240xf32, #tpu.memory_space<hbm>> -> memref<640xf32, #tpu.memory_space<hbm>>
      tpu.wait_dma2 semaphore(%run_scoped3A : memref<!tpu.dma_semaphore, #tpu.memory_space<semaphore_mem>>) src(%dma_wait3A_49 : memref<640xf32, #tpu.memory_space<hbm>>) dst(%dma_wait3A : memref<640xf32, #tpu.memory_space<vmem_shared>>)
      tpu.yield
    }) : () -> ()
    %mul3A_5 = arith.constant 640 : i32
    %mul3A_6 = arith.muli %arg1, %mul3A_5 : i32
    %mul3A_7 = arith.constant 640 : i32
    %mul3A_8 = arith.muli %arg1, %mul3A_7 : i32
    "tpu.region"() ({
      %run_scoped3A = tpu.sem_alloc : memref<!tpu.dma_semaphore, #tpu.memory_space<semaphore_mem>>
      %dma_start3A_47 = tpu.memref_slice %arg11[%mul3A_8] : memref<10240xf32, #tpu.memory_space<vmem_shared>> -> memref<640xf32, #tpu.memory_space<vmem_shared>>
      %dma_start3A_48 = tpu.memref_slice %arg5[%mul3A_6] : memref<10240xf32, #tpu.memory_space<hbm>> -> memref<640xf32, #tpu.memory_space<hbm>>
      tpu.enqueue_dma source(%dma_start3A_48 : memref<640xf32, #tpu.memory_space<hbm>>) target(%dma_start3A_47 : memref<640xf32, #tpu.memory_space<vmem_shared>>) target_semaphore(%run_scoped3A : memref<!tpu.dma_semaphore, #tpu.memory_space<semaphore_mem>>)
      %dma_wait3A = tpu.memref_slice %arg11[%mul3A_8] : memref<10240xf32, #tpu.memory_space<vmem_shared>> -> memref<640xf32, #tpu.memory_space<vmem_shared>>
      %dma_wait3A_49 = tpu.memref_slice %arg5[%mul3A_6] : memref<10240xf32, #tpu.memory_space<hbm>> -> memref<640xf32, #tpu.memory_space<hbm>>
      tpu.wait_dma2 semaphore(%run_scoped3A : memref<!tpu.dma_semaphore, #tpu.memory_space<semaphore_mem>>) src(%dma_wait3A_49 : memref<640xf32, #tpu.memory_space<hbm>>) dst(%dma_wait3A : memref<640xf32, #tpu.memory_space<vmem_shared>>)
      tpu.yield
    }) : () -> ()
    %barrier3A = arith.constant 0 : index
    tpu.barrier barrier_id(%barrier3A)
    %dma_start3A = arith.constant 0 : i32
    %dma_start3A_9 = arith.constant 0 : i32
    %dma_start3A_10 = arith.constant 0 : i32
    %dma_start3A_11 = tpu.memref_slice %arg9[%dma_start3A_9, %dma_start3A_10] : memref<3x128xf32, #tpu.memory_space<vmem>> -> memref<1x128xf32, #tpu.memory_space<vmem>>
    %dma_start3A_12 = tpu.memref_squeeze %dma_start3A_11 : memref<1x128xf32, #tpu.memory_space<vmem>> -> memref<128xf32, #tpu.memory_space<vmem>>
    %dma_start3A_13 = arith.constant 0 : i32
    %dma_start3A_14 = tpu.memref_slice %arg7[%dma_start3A, %dma_start3A_13] : memref<81x128xi32, #tpu.memory_space<vmem>> -> memref<1x128xi32, #tpu.memory_space<vmem>>
    %dma_start3A_15 = tpu.memref_squeeze %dma_start3A_14 : memref<1x128xi32, #tpu.memory_space<vmem>> -> memref<128xi32, #tpu.memory_space<vmem>>
    %dma_start3A_16 = arith.constant 0 : i32
    %dma_start3A_17 = tpu.memref_slice %arg10[%dma_start3A_16] : memref<10240xf32, #tpu.memory_space<vmem_shared>> -> memref<10240xf32, #tpu.memory_space<vmem_shared>>
    tpu.enqueue_indirect_dma source(%dma_start3A_17 : memref<10240xf32, #tpu.memory_space<vmem_shared>>) target(%dma_start3A_12 : memref<128xf32, #tpu.memory_space<vmem>>) offsets(%dma_start3A_15 : memref<128xi32, #tpu.memory_space<vmem>>) semaphore(%arg12 : memref<!tpu.dma_semaphore, #tpu.memory_space<semaphore_mem>>)
    %dma_start3A_18 = arith.constant 1 : i32
    %dma_start3A_19 = arith.constant 1 : i32
    %dma_start3A_20 = arith.constant 0 : i32
    %dma_start3A_21 = tpu.memref_slice %arg9[%dma_start3A_19, %dma_start3A_20] : memref<3x128xf32, #tpu.memory_space<vmem>> -> memref<1x128xf32, #tpu.memory_space<vmem>>
    %dma_start3A_22 = tpu.memref_squeeze %dma_start3A_21 : memref<1x128xf32, #tpu.memory_space<vmem>> -> memref<128xf32, #tpu.memory_space<vmem>>
    %dma_start3A_23 = arith.constant 0 : i32
    %dma_start3A_24 = tpu.memref_slice %arg7[%dma_start3A_18, %dma_start3A_23] : memref<81x128xi32, #tpu.memory_space<vmem>> -> memref<1x128xi32, #tpu.memory_space<vmem>>
    %dma_start3A_25 = tpu.memref_squeeze %dma_start3A_24 : memref<1x128xi32, #tpu.memory_space<vmem>> -> memref<128xi32, #tpu.memory_space<vmem>>
    %dma_start3A_26 = arith.constant 0 : i32
    %dma_start3A_27 = tpu.memref_slice %arg10[%dma_start3A_26] : memref<10240xf32, #tpu.memory_space<vmem_shared>> -> memref<10240xf32, #tpu.memory_space<vmem_shared>>
    tpu.enqueue_indirect_dma source(%dma_start3A_27 : memref<10240xf32, #tpu.memory_space<vmem_shared>>) target(%dma_start3A_22 : memref<128xf32, #tpu.memory_space<vmem>>) offsets(%dma_start3A_25 : memref<128xi32, #tpu.memory_space<vmem>>) semaphore(%arg13 : memref<!tpu.dma_semaphore, #tpu.memory_space<semaphore_mem>>)
    %dma_start3A_28 = arith.constant 2 : i32
    %dma_start3A_29 = arith.constant 2 : i32
    %dma_start3A_30 = arith.constant 0 : i32
    %dma_start3A_31 = tpu.memref_slice %arg9[%dma_start3A_29, %dma_start3A_30] : memref<3x128xf32, #tpu.memory_space<vmem>> -> memref<1x128xf32, #tpu.memory_space<vmem>>
    %dma_start3A_32 = tpu.memref_squeeze %dma_start3A_31 : memref<1x128xf32, #tpu.memory_space<vmem>> -> memref<128xf32, #tpu.memory_space<vmem>>
    %dma_start3A_33 = arith.constant 0 : i32
    %dma_start3A_34 = tpu.memref_slice %arg7[%dma_start3A_28, %dma_start3A_33] : memref<81x128xi32, #tpu.memory_space<vmem>> -> memref<1x128xi32, #tpu.memory_space<vmem>>
    %dma_start3A_35 = tpu.memref_squeeze %dma_start3A_34 : memref<1x128xi32, #tpu.memory_space<vmem>> -> memref<128xi32, #tpu.memory_space<vmem>>
    %dma_start3A_36 = arith.constant 0 : i32
    %dma_start3A_37 = tpu.memref_slice %arg10[%dma_start3A_36] : memref<10240xf32, #tpu.memory_space<vmem_shared>> -> memref<10240xf32, #tpu.memory_space<vmem_shared>>
    tpu.enqueue_indirect_dma source(%dma_start3A_37 : memref<10240xf32, #tpu.memory_space<vmem_shared>>) target(%dma_start3A_32 : memref<128xf32, #tpu.memory_space<vmem>>) offsets(%dma_start3A_35 : memref<128xi32, #tpu.memory_space<vmem>>) semaphore(%arg14 : memref<!tpu.dma_semaphore, #tpu.memory_space<semaphore_mem>>)
    %scan3A = arith.constant 0 : i32
    %scan3A_38 = arith.constant 27 : i32
    %scan3A_39 = arith.addi %scan3A, %scan3A_38 : i32
    %scan3A_40 = arith.constant 1 : i32
    scf.for %scan3A_47 = %scan3A to %scan3A_39 step %scan3A_40  : i32 {
      %mul3A_48 = arith.constant 3 : i32
      %mul3A_49 = arith.muli %scan3A_47, %mul3A_48 : i32
      %add3A_50 = arith.constant 0 : i32
      %add3A_51 = arith.addi %mul3A_49, %add3A_50 : i32
      %dma_wait3A = arith.constant 0 : i32
      %dma_wait3A_52 = arith.constant 0 : i32
      %dma_wait3A_53 = tpu.memref_slice %arg9[%dma_wait3A, %dma_wait3A_52] : memref<3x128xf32, #tpu.memory_space<vmem>> -> memref<1x128xf32, #tpu.memory_space<vmem>>
      %dma_wait3A_54 = tpu.memref_squeeze %dma_wait3A_53 : memref<1x128xf32, #tpu.memory_space<vmem>> -> memref<128xf32, #tpu.memory_space<vmem>>
      %dma_wait3A_55 = arith.constant 0 : i32
      %dma_wait3A_56 = tpu.memref_slice %arg7[%add3A_51, %dma_wait3A_55] : memref<81x128xi32, #tpu.memory_space<vmem>> -> memref<1x128xi32, #tpu.memory_space<vmem>>
      %dma_wait3A_57 = tpu.memref_squeeze %dma_wait3A_56 : memref<1x128xi32, #tpu.memory_space<vmem>> -> memref<128xi32, #tpu.memory_space<vmem>>
      %dma_wait3A_58 = arith.constant 0 : i32
      %dma_wait3A_59 = tpu.memref_slice %arg10[%dma_wait3A_58] : memref<10240xf32, #tpu.memory_space<vmem_shared>> -> memref<10240xf32, #tpu.memory_space<vmem_shared>>
      tpu.wait_indirect_dma semaphore(%arg12 : memref<!tpu.dma_semaphore, #tpu.memory_space<semaphore_mem>>) src(%dma_wait3A_59 : memref<10240xf32, #tpu.memory_space<vmem_shared>>) dst(%dma_wait3A_54 : memref<128xf32, #tpu.memory_space<vmem>>)
      %run_scoped3A = arith.constant 0 : i32
      "tpu.region"() ({
        %run_scoped3A_106 = tpu.sem_alloc : memref<!tpu.dma_semaphore, #tpu.memory_space<semaphore_mem>>
        %dma_start3A_107 = arith.constant 0 : i32
        %dma_start3A_108 = tpu.memref_slice %arg9[%run_scoped3A, %dma_start3A_107] : memref<3x128xf32, #tpu.memory_space<vmem>> -> memref<1x128xf32, #tpu.memory_space<vmem>>
        %dma_start3A_109 = tpu.memref_squeeze %dma_start3A_108 : memref<1x128xf32, #tpu.memory_space<vmem>> -> memref<128xf32, #tpu.memory_space<vmem>>
        %dma_start3A_110 = arith.constant 0 : i32
        %dma_start3A_111 = tpu.memref_slice %arg8[%add3A_51, %dma_start3A_110] : memref<81x128xi32, #tpu.memory_space<vmem>> -> memref<1x128xi32, #tpu.memory_space<vmem>>
        %dma_start3A_112 = tpu.memref_squeeze %dma_start3A_111 : memref<1x128xi32, #tpu.memory_space<vmem>> -> memref<128xi32, #tpu.memory_space<vmem>>
        %dma_start3A_113 = arith.constant 0 : i32
        %dma_start3A_114 = tpu.memref_slice %arg11[%dma_start3A_113] : memref<10240xf32, #tpu.memory_space<vmem_shared>> -> memref<10240xf32, #tpu.memory_space<vmem_shared>>
        tpu.enqueue_indirect_dma source(%dma_start3A_109 : memref<128xf32, #tpu.memory_space<vmem>>) target(%dma_start3A_114 : memref<10240xf32, #tpu.memory_space<vmem_shared>>) offsets(%dma_start3A_112 : memref<128xi32, #tpu.memory_space<vmem>>) semaphore(%run_scoped3A_106 : memref<!tpu.dma_semaphore, #tpu.memory_space<semaphore_mem>>) {add = true}
        %dma_wait3A_115 = arith.constant 0 : i32
        %dma_wait3A_116 = tpu.memref_slice %arg9[%run_scoped3A, %dma_wait3A_115] : memref<3x128xf32, #tpu.memory_space<vmem>> -> memref<1x128xf32, #tpu.memory_space<vmem>>
        %dma_wait3A_117 = tpu.memref_squeeze %dma_wait3A_116 : memref<1x128xf32, #tpu.memory_space<vmem>> -> memref<128xf32, #tpu.memory_space<vmem>>
        %dma_wait3A_118 = arith.constant 0 : i32
        %dma_wait3A_119 = tpu.memref_slice %arg8[%add3A_51, %dma_wait3A_118] : memref<81x128xi32, #tpu.memory_space<vmem>> -> memref<1x128xi32, #tpu.memory_space<vmem>>
        %dma_wait3A_120 = tpu.memref_squeeze %dma_wait3A_119 : memref<1x128xi32, #tpu.memory_space<vmem>> -> memref<128xi32, #tpu.memory_space<vmem>>
        %dma_wait3A_121 = arith.constant 0 : i32
        %dma_wait3A_122 = tpu.memref_slice %arg11[%dma_wait3A_121] : memref<10240xf32, #tpu.memory_space<vmem_shared>> -> memref<10240xf32, #tpu.memory_space<vmem_shared>>
        tpu.wait_indirect_dma semaphore(%run_scoped3A_106 : memref<!tpu.dma_semaphore, #tpu.memory_space<semaphore_mem>>) src(%dma_wait3A_117 : memref<128xf32, #tpu.memory_space<vmem>>) dst(%dma_wait3A_122 : memref<10240xf32, #tpu.memory_space<vmem_shared>>)
        tpu.yield
      }) : () -> ()
      %add3A_60 = arith.constant 3 : i32
      %add3A_61 = arith.addi %add3A_51, %add3A_60 : i32
      %lt3A = arith.constant 81 : i32
      %lt3A_62 = arith.cmpi slt, %add3A_61, %lt3A : i32
      %convert_element_type3A = arith.extui %lt3A_62 : i1 to i32
      %cond3A = arith.constant 0 : i32
      %cond3A_63 = arith.cmpi ne, %convert_element_type3A, %cond3A : i32
      scf.if %cond3A_63 {
        %dma_start3A_106 = arith.constant 0 : i32
        %dma_start3A_107 = arith.constant 0 : i32
        %dma_start3A_108 = tpu.memref_slice %arg9[%dma_start3A_106, %dma_start3A_107] : memref<3x128xf32, #tpu.memory_space<vmem>> -> memref<1x128xf32, #tpu.memory_space<vmem>>
        %dma_start3A_109 = tpu.memref_squeeze %dma_start3A_108 : memref<1x128xf32, #tpu.memory_space<vmem>> -> memref<128xf32, #tpu.memory_space<vmem>>
        %dma_start3A_110 = arith.constant 0 : i32
        %dma_start3A_111 = tpu.memref_slice %arg7[%add3A_61, %dma_start3A_110] : memref<81x128xi32, #tpu.memory_space<vmem>> -> memref<1x128xi32, #tpu.memory_space<vmem>>
        %dma_start3A_112 = tpu.memref_squeeze %dma_start3A_111 : memref<1x128xi32, #tpu.memory_space<vmem>> -> memref<128xi32, #tpu.memory_space<vmem>>
        %dma_start3A_113 = arith.constant 0 : i32
        %dma_start3A_114 = tpu.memref_slice %arg10[%dma_start3A_113] : memref<10240xf32, #tpu.memory_space<vmem_shared>> -> memref<10240xf32, #tpu.memory_space<vmem_shared>>
        tpu.enqueue_indirect_dma source(%dma_start3A_114 : memref<10240xf32, #tpu.memory_space<vmem_shared>>) target(%dma_start3A_109 : memref<128xf32, #tpu.memory_space<vmem>>) offsets(%dma_start3A_112 : memref<128xi32, #tpu.memory_space<vmem>>) semaphore(%arg12 : memref<!tpu.dma_semaphore, #tpu.memory_space<semaphore_mem>>)
      } else {
      }
      %mul3A_64 = arith.constant 3 : i32
      %mul3A_65 = arith.muli %scan3A_47, %mul3A_64 : i32
      %add3A_66 = arith.constant 1 : i32
      %add3A_67 = arith.addi %mul3A_65, %add3A_66 : i32
      %dma_wait3A_68 = arith.constant 1 : i32
      %dma_wait3A_69 = arith.constant 0 : i32
      %dma_wait3A_70 = tpu.memref_slice %arg9[%dma_wait3A_68, %dma_wait3A_69] : memref<3x128xf32, #tpu.memory_space<vmem>> -> memref<1x128xf32, #tpu.memory_space<vmem>>
      %dma_wait3A_71 = tpu.memref_squeeze %dma_wait3A_70 : memref<1x128xf32, #tpu.memory_space<vmem>> -> memref<128xf32, #tpu.memory_space<vmem>>
      %dma_wait3A_72 = arith.constant 0 : i32
      %dma_wait3A_73 = tpu.memref_slice %arg7[%add3A_67, %dma_wait3A_72] : memref<81x128xi32, #tpu.memory_space<vmem>> -> memref<1x128xi32, #tpu.memory_space<vmem>>
      %dma_wait3A_74 = tpu.memref_squeeze %dma_wait3A_73 : memref<1x128xi32, #tpu.memory_space<vmem>> -> memref<128xi32, #tpu.memory_space<vmem>>
      %dma_wait3A_75 = arith.constant 0 : i32
      %dma_wait3A_76 = tpu.memref_slice %arg10[%dma_wait3A_75] : memref<10240xf32, #tpu.memory_space<vmem_shared>> -> memref<10240xf32, #tpu.memory_space<vmem_shared>>
      tpu.wait_indirect_dma semaphore(%arg13 : memref<!tpu.dma_semaphore, #tpu.memory_space<semaphore_mem>>) src(%dma_wait3A_76 : memref<10240xf32, #tpu.memory_space<vmem_shared>>) dst(%dma_wait3A_71 : memref<128xf32, #tpu.memory_space<vmem>>)
      %run_scoped3A_77 = arith.constant 1 : i32
      "tpu.region"() ({
        %run_scoped3A_106 = tpu.sem_alloc : memref<!tpu.dma_semaphore, #tpu.memory_space<semaphore_mem>>
        %dma_start3A_107 = arith.constant 0 : i32
        %dma_start3A_108 = tpu.memref_slice %arg9[%run_scoped3A_77, %dma_start3A_107] : memref<3x128xf32, #tpu.memory_space<vmem>> -> memref<1x128xf32, #tpu.memory_space<vmem>>
        %dma_start3A_109 = tpu.memref_squeeze %dma_start3A_108 : memref<1x128xf32, #tpu.memory_space<vmem>> -> memref<128xf32, #tpu.memory_space<vmem>>
        %dma_start3A_110 = arith.constant 0 : i32
        %dma_start3A_111 = tpu.memref_slice %arg8[%add3A_67, %dma_start3A_110] : memref<81x128xi32, #tpu.memory_space<vmem>> -> memref<1x128xi32, #tpu.memory_space<vmem>>
        %dma_start3A_112 = tpu.memref_squeeze %dma_start3A_111 : memref<1x128xi32, #tpu.memory_space<vmem>> -> memref<128xi32, #tpu.memory_space<vmem>>
        %dma_start3A_113 = arith.constant 0 : i32
        %dma_start3A_114 = tpu.memref_slice %arg11[%dma_start3A_113] : memref<10240xf32, #tpu.memory_space<vmem_shared>> -> memref<10240xf32, #tpu.memory_space<vmem_shared>>
        tpu.enqueue_indirect_dma source(%dma_start3A_109 : memref<128xf32, #tpu.memory_space<vmem>>) target(%dma_start3A_114 : memref<10240xf32, #tpu.memory_space<vmem_shared>>) offsets(%dma_start3A_112 : memref<128xi32, #tpu.memory_space<vmem>>) semaphore(%run_scoped3A_106 : memref<!tpu.dma_semaphore, #tpu.memory_space<semaphore_mem>>) {add = true}
        %dma_wait3A_115 = arith.constant 0 : i32
        %dma_wait3A_116 = tpu.memref_slice %arg9[%run_scoped3A_77, %dma_wait3A_115] : memref<3x128xf32, #tpu.memory_space<vmem>> -> memref<1x128xf32, #tpu.memory_space<vmem>>
        %dma_wait3A_117 = tpu.memref_squeeze %dma_wait3A_116 : memref<1x128xf32, #tpu.memory_space<vmem>> -> memref<128xf32, #tpu.memory_space<vmem>>
        %dma_wait3A_118 = arith.constant 0 : i32
        %dma_wait3A_119 = tpu.memref_slice %arg8[%add3A_67, %dma_wait3A_118] : memref<81x128xi32, #tpu.memory_space<vmem>> -> memref<1x128xi32, #tpu.memory_space<vmem>>
        %dma_wait3A_120 = tpu.memref_squeeze %dma_wait3A_119 : memref<1x128xi32, #tpu.memory_space<vmem>> -> memref<128xi32, #tpu.memory_space<vmem>>
        %dma_wait3A_121 = arith.constant 0 : i32
        %dma_wait3A_122 = tpu.memref_slice %arg11[%dma_wait3A_121] : memref<10240xf32, #tpu.memory_space<vmem_shared>> -> memref<10240xf32, #tpu.memory_space<vmem_shared>>
        tpu.wait_indirect_dma semaphore(%run_scoped3A_106 : memref<!tpu.dma_semaphore, #tpu.memory_space<semaphore_mem>>) src(%dma_wait3A_117 : memref<128xf32, #tpu.memory_space<vmem>>) dst(%dma_wait3A_122 : memref<10240xf32, #tpu.memory_space<vmem_shared>>)
        tpu.yield
      }) : () -> ()
      %add3A_78 = arith.constant 3 : i32
      %add3A_79 = arith.addi %add3A_67, %add3A_78 : i32
      %lt3A_80 = arith.constant 81 : i32
      %lt3A_81 = arith.cmpi slt, %add3A_79, %lt3A_80 : i32
      %convert_element_type3A_82 = arith.extui %lt3A_81 : i1 to i32
      %cond3A_83 = arith.constant 0 : i32
      %cond3A_84 = arith.cmpi ne, %convert_element_type3A_82, %cond3A_83 : i32
      scf.if %cond3A_84 {
        %dma_start3A_106 = arith.constant 1 : i32
        %dma_start3A_107 = arith.constant 0 : i32
        %dma_start3A_108 = tpu.memref_slice %arg9[%dma_start3A_106, %dma_start3A_107] : memref<3x128xf32, #tpu.memory_space<vmem>> -> memref<1x128xf32, #tpu.memory_space<vmem>>
        %dma_start3A_109 = tpu.memref_squeeze %dma_start3A_108 : memref<1x128xf32, #tpu.memory_space<vmem>> -> memref<128xf32, #tpu.memory_space<vmem>>
        %dma_start3A_110 = arith.constant 0 : i32
        %dma_start3A_111 = tpu.memref_slice %arg7[%add3A_79, %dma_start3A_110] : memref<81x128xi32, #tpu.memory_space<vmem>> -> memref<1x128xi32, #tpu.memory_space<vmem>>
        %dma_start3A_112 = tpu.memref_squeeze %dma_start3A_111 : memref<1x128xi32, #tpu.memory_space<vmem>> -> memref<128xi32, #tpu.memory_space<vmem>>
        %dma_start3A_113 = arith.constant 0 : i32
        %dma_start3A_114 = tpu.memref_slice %arg10[%dma_start3A_113] : memref<10240xf32, #tpu.memory_space<vmem_shared>> -> memref<10240xf32, #tpu.memory_space<vmem_shared>>
        tpu.enqueue_indirect_dma source(%dma_start3A_114 : memref<10240xf32, #tpu.memory_space<vmem_shared>>) target(%dma_start3A_109 : memref<128xf32, #tpu.memory_space<vmem>>) offsets(%dma_start3A_112 : memref<128xi32, #tpu.memory_space<vmem>>) semaphore(%arg13 : memref<!tpu.dma_semaphore, #tpu.memory_space<semaphore_mem>>)
      } else {
      }
      %mul3A_85 = arith.constant 3 : i32
      %mul3A_86 = arith.muli %scan3A_47, %mul3A_85 : i32
      %add3A_87 = arith.constant 2 : i32
      %add3A_88 = arith.addi %mul3A_86, %add3A_87 : i32
      %dma_wait3A_89 = arith.constant 2 : i32
      %dma_wait3A_90 = arith.constant 0 : i32
      %dma_wait3A_91 = tpu.memref_slice %arg9[%dma_wait3A_89, %dma_wait3A_90] : memref<3x128xf32, #tpu.memory_space<vmem>> -> memref<1x128xf32, #tpu.memory_space<vmem>>
      %dma_wait3A_92 = tpu.memref_squeeze %dma_wait3A_91 : memref<1x128xf32, #tpu.memory_space<vmem>> -> memref<128xf32, #tpu.memory_space<vmem>>
      %dma_wait3A_93 = arith.constant 0 : i32
      %dma_wait3A_94 = tpu.memref_slice %arg7[%add3A_88, %dma_wait3A_93] : memref<81x128xi32, #tpu.memory_space<vmem>> -> memref<1x128xi32, #tpu.memory_space<vmem>>
      %dma_wait3A_95 = tpu.memref_squeeze %dma_wait3A_94 : memref<1x128xi32, #tpu.memory_space<vmem>> -> memref<128xi32, #tpu.memory_space<vmem>>
      %dma_wait3A_96 = arith.constant 0 : i32
      %dma_wait3A_97 = tpu.memref_slice %arg10[%dma_wait3A_96] : memref<10240xf32, #tpu.memory_space<vmem_shared>> -> memref<10240xf32, #tpu.memory_space<vmem_shared>>
      tpu.wait_indirect_dma semaphore(%arg14 : memref<!tpu.dma_semaphore, #tpu.memory_space<semaphore_mem>>) src(%dma_wait3A_97 : memref<10240xf32, #tpu.memory_space<vmem_shared>>) dst(%dma_wait3A_92 : memref<128xf32, #tpu.memory_space<vmem>>)
      %run_scoped3A_98 = arith.constant 2 : i32
      "tpu.region"() ({
        %run_scoped3A_106 = tpu.sem_alloc : memref<!tpu.dma_semaphore, #tpu.memory_space<semaphore_mem>>
        %dma_start3A_107 = arith.constant 0 : i32
        %dma_start3A_108 = tpu.memref_slice %arg9[%run_scoped3A_98, %dma_start3A_107] : memref<3x128xf32, #tpu.memory_space<vmem>> -> memref<1x128xf32, #tpu.memory_space<vmem>>
        %dma_start3A_109 = tpu.memref_squeeze %dma_start3A_108 : memref<1x128xf32, #tpu.memory_space<vmem>> -> memref<128xf32, #tpu.memory_space<vmem>>
        %dma_start3A_110 = arith.constant 0 : i32
        %dma_start3A_111 = tpu.memref_slice %arg8[%add3A_88, %dma_start3A_110] : memref<81x128xi32, #tpu.memory_space<vmem>> -> memref<1x128xi32, #tpu.memory_space<vmem>>
        %dma_start3A_112 = tpu.memref_squeeze %dma_start3A_111 : memref<1x128xi32, #tpu.memory_space<vmem>> -> memref<128xi32, #tpu.memory_space<vmem>>
        %dma_start3A_113 = arith.constant 0 : i32
        %dma_start3A_114 = tpu.memref_slice %arg11[%dma_start3A_113] : memref<10240xf32, #tpu.memory_space<vmem_shared>> -> memref<10240xf32, #tpu.memory_space<vmem_shared>>
        tpu.enqueue_indirect_dma source(%dma_start3A_109 : memref<128xf32, #tpu.memory_space<vmem>>) target(%dma_start3A_114 : memref<10240xf32, #tpu.memory_space<vmem_shared>>) offsets(%dma_start3A_112 : memref<128xi32, #tpu.memory_space<vmem>>) semaphore(%run_scoped3A_106 : memref<!tpu.dma_semaphore, #tpu.memory_space<semaphore_mem>>) {add = true}
        %dma_wait3A_115 = arith.constant 0 : i32
        %dma_wait3A_116 = tpu.memref_slice %arg9[%run_scoped3A_98, %dma_wait3A_115] : memref<3x128xf32, #tpu.memory_space<vmem>> -> memref<1x128xf32, #tpu.memory_space<vmem>>
        %dma_wait3A_117 = tpu.memref_squeeze %dma_wait3A_116 : memref<1x128xf32, #tpu.memory_space<vmem>> -> memref<128xf32, #tpu.memory_space<vmem>>
        %dma_wait3A_118 = arith.constant 0 : i32
        %dma_wait3A_119 = tpu.memref_slice %arg8[%add3A_88, %dma_wait3A_118] : memref<81x128xi32, #tpu.memory_space<vmem>> -> memref<1x128xi32, #tpu.memory_space<vmem>>
        %dma_wait3A_120 = tpu.memref_squeeze %dma_wait3A_119 : memref<1x128xi32, #tpu.memory_space<vmem>> -> memref<128xi32, #tpu.memory_space<vmem>>
        %dma_wait3A_121 = arith.constant 0 : i32
        %dma_wait3A_122 = tpu.memref_slice %arg11[%dma_wait3A_121] : memref<10240xf32, #tpu.memory_space<vmem_shared>> -> memref<10240xf32, #tpu.memory_space<vmem_shared>>
        tpu.wait_indirect_dma semaphore(%run_scoped3A_106 : memref<!tpu.dma_semaphore, #tpu.memory_space<semaphore_mem>>) src(%dma_wait3A_117 : memref<128xf32, #tpu.memory_space<vmem>>) dst(%dma_wait3A_122 : memref<10240xf32, #tpu.memory_space<vmem_shared>>)
        tpu.yield
      }) : () -> ()
      %add3A_99 = arith.constant 3 : i32
      %add3A_100 = arith.addi %add3A_88, %add3A_99 : i32
      %lt3A_101 = arith.constant 81 : i32
      %lt3A_102 = arith.cmpi slt, %add3A_100, %lt3A_101 : i32
      %convert_element_type3A_103 = arith.extui %lt3A_102 : i1 to i32
      %cond3A_104 = arith.constant 0 : i32
      %cond3A_105 = arith.cmpi ne, %convert_element_type3A_103, %cond3A_104 : i32
      scf.if %cond3A_105 {
        %dma_start3A_106 = arith.constant 2 : i32
        %dma_start3A_107 = arith.constant 0 : i32
        %dma_start3A_108 = tpu.memref_slice %arg9[%dma_start3A_106, %dma_start3A_107] : memref<3x128xf32, #tpu.memory_space<vmem>> -> memref<1x128xf32, #tpu.memory_space<vmem>>
        %dma_start3A_109 = tpu.memref_squeeze %dma_start3A_108 : memref<1x128xf32, #tpu.memory_space<vmem>> -> memref<128xf32, #tpu.memory_space<vmem>>
        %dma_start3A_110 = arith.constant 0 : i32
        %dma_start3A_111 = tpu.memref_slice %arg7[%add3A_100, %dma_start3A_110] : memref<81x128xi32, #tpu.memory_space<vmem>> -> memref<1x128xi32, #tpu.memory_space<vmem>>
        %dma_start3A_112 = tpu.memref_squeeze %dma_start3A_111 : memref<1x128xi32, #tpu.memory_space<vmem>> -> memref<128xi32, #tpu.memory_space<vmem>>
        %dma_start3A_113 = arith.constant 0 : i32
        %dma_start3A_114 = tpu.memref_slice %arg10[%dma_start3A_113] : memref<10240xf32, #tpu.memory_space<vmem_shared>> -> memref<10240xf32, #tpu.memory_space<vmem_shared>>
        tpu.enqueue_indirect_dma source(%dma_start3A_114 : memref<10240xf32, #tpu.memory_space<vmem_shared>>) target(%dma_start3A_109 : memref<128xf32, #tpu.memory_space<vmem>>) offsets(%dma_start3A_112 : memref<128xi32, #tpu.memory_space<vmem>>) semaphore(%arg14 : memref<!tpu.dma_semaphore, #tpu.memory_space<semaphore_mem>>)
      } else {
      }
    }
    %scan3A_41 = arith.constant 27 : i32
    %barrier3A_42 = arith.constant 0 : index
    tpu.barrier barrier_id(%barrier3A_42)
    %mul3A_43 = arith.constant 640 : i32
    %mul3A_44 = arith.muli %arg1, %mul3A_43 : i32
    %mul3A_45 = arith.constant 640 : i32
    %mul3A_46 = arith.muli %arg1, %mul3A_45 : i32
    "tpu.region"() ({
      %run_scoped3A = tpu.sem_alloc : memref<!tpu.dma_semaphore, #tpu.memory_space<semaphore_mem>>
      %dma_start3A_47 = arith.constant 0 : i32
      %dma_start3A_48 = tpu.memref_slice %arg6[%arg0, %dma_start3A_47] : memref<2x10240xf32, #tpu.memory_space<hbm>> -> memref<1x10240xf32, #tpu.memory_space<hbm>>
      %dma_start3A_49 = tpu.memref_squeeze %dma_start3A_48 : memref<1x10240xf32, #tpu.memory_space<hbm>> -> memref<10240xf32, #tpu.memory_space<hbm>>
      %dma_start3A_50 = tpu.memref_slice %dma_start3A_49[%mul3A_46] : memref<10240xf32, #tpu.memory_space<hbm>> -> memref<640xf32, #tpu.memory_space<hbm>>
      %dma_start3A_51 = tpu.memref_slice %arg11[%mul3A_44] : memref<10240xf32, #tpu.memory_space<vmem_shared>> -> memref<640xf32, #tpu.memory_space<vmem_shared>>
      tpu.enqueue_dma source(%dma_start3A_51 : memref<640xf32, #tpu.memory_space<vmem_shared>>) target(%dma_start3A_50 : memref<640xf32, #tpu.memory_space<hbm>>) target_semaphore(%run_scoped3A : memref<!tpu.dma_semaphore, #tpu.memory_space<semaphore_mem>>)
      %dma_wait3A = arith.constant 0 : i32
      %dma_wait3A_52 = tpu.memref_slice %arg6[%arg0, %dma_wait3A] : memref<2x10240xf32, #tpu.memory_space<hbm>> -> memref<1x10240xf32, #tpu.memory_space<hbm>>
      %dma_wait3A_53 = tpu.memref_squeeze %dma_wait3A_52 : memref<1x10240xf32, #tpu.memory_space<hbm>> -> memref<10240xf32, #tpu.memory_space<hbm>>
      %dma_wait3A_54 = tpu.memref_slice %dma_wait3A_53[%mul3A_46] : memref<10240xf32, #tpu.memory_space<hbm>> -> memref<640xf32, #tpu.memory_space<hbm>>
      %dma_wait3A_55 = tpu.memref_slice %arg11[%mul3A_44] : memref<10240xf32, #tpu.memory_space<vmem_shared>> -> memref<640xf32, #tpu.memory_space<vmem_shared>>
      tpu.wait_dma2 semaphore(%run_scoped3A : memref<!tpu.dma_semaphore, #tpu.memory_space<semaphore_mem>>) src(%dma_wait3A_55 : memref<640xf32, #tpu.memory_space<vmem_shared>>) dst(%dma_wait3A_54 : memref<640xf32, #tpu.memory_space<hbm>>)
      tpu.yield
    }) : () -> ()
    return
  }
}

#map = affine_map<(d0, d1) -> (0, 0, 0)>
#map1 = affine_map<(d0, d1) -> (0, 0)>
module attributes {stable_mosaic.version = 14 : i64} {
  func.func @_sc_agg1(%arg0: i32, %arg1: i32, %arg2: memref<32x81x128xi32, #tpu.memory_space<hbm>>, %arg3: memref<32x81x128xi32, #tpu.memory_space<hbm>>, %arg4: memref<10240x32xf32, #tpu.memory_space<hbm>>, %arg5: memref<10240x32xf32, #tpu.memory_space<hbm>>, %arg6: memref<2x10240x32xf32, #tpu.memory_space<hbm>>, %arg7: memref<81x128xi32, #tpu.memory_space<vmem>>, %arg8: memref<81x128xi32, #tpu.memory_space<vmem>>, %arg9: memref<3x128x32xf32, #tpu.memory_space<vmem>>, %arg10: memref<10240x32xf32, #tpu.memory_space<vmem_shared>>, %arg11: memref<10240x32xf32, #tpu.memory_space<vmem_shared>>, %arg12: memref<!tpu.dma_semaphore, #tpu.memory_space<semaphore_mem>>, %arg13: memref<!tpu.dma_semaphore, #tpu.memory_space<semaphore_mem>>, %arg14: memref<!tpu.dma_semaphore, #tpu.memory_space<semaphore_mem>>) attributes {dimension_semantics = [#tpu.dimension_semantics<core_parallel>, #tpu.dimension_semantics<subcore_parallel>], iteration_bounds = array<i64: 2, 16>, scalar_prefetch = 0 : i64, scratch_operands = 8 : i64, tpu.core_type = #tpu.core_type<sc_vector_subcore>, window_params = [{transform_indices = #map}, {transform_indices = #map}, {transform_indices = #map1}, {transform_indices = #map1}, {transform_indices = #map}]} {
    %mul3A = arith.constant 16 : i32
    %mul3A_0 = arith.muli %arg0, %mul3A : i32
    %add3A = arith.addi %mul3A_0, %arg1 : i32
    "tpu.region"() ({
      %run_scoped3A = tpu.sem_alloc : memref<!tpu.dma_semaphore, #tpu.memory_space<semaphore_mem>>
      %dma_start3A_53 = arith.constant 0 : i32
      %dma_start3A_54 = arith.constant 0 : i32
      %dma_start3A_55 = tpu.memref_slice %arg2[%add3A, %dma_start3A_53, %dma_start3A_54] : memref<32x81x128xi32, #tpu.memory_space<hbm>> -> memref<1x81x128xi32, #tpu.memory_space<hbm>>
      %dma_start3A_56 = tpu.memref_squeeze %dma_start3A_55 : memref<1x81x128xi32, #tpu.memory_space<hbm>> -> memref<81x128xi32, #tpu.memory_space<hbm>>
      %dma_start3A_57 = arith.constant 0 : i32
      %dma_start3A_58 = arith.constant 0 : i32
      %dma_start3A_59 = tpu.memref_slice %arg2[%add3A, %dma_start3A_57, %dma_start3A_58] : memref<32x81x128xi32, #tpu.memory_space<hbm>> -> memref<1x81x128xi32, #tpu.memory_space<hbm>>
      %dma_start3A_60 = tpu.memref_squeeze %dma_start3A_59 : memref<1x81x128xi32, #tpu.memory_space<hbm>> -> memref<81x128xi32, #tpu.memory_space<hbm>>
      tpu.enqueue_dma source(%dma_start3A_60 : memref<81x128xi32, #tpu.memory_space<hbm>>) target(%arg7 : memref<81x128xi32, #tpu.memory_space<vmem>>) target_semaphore(%run_scoped3A : memref<!tpu.dma_semaphore, #tpu.memory_space<semaphore_mem>>)
      %dma_wait3A = arith.constant 0 : i32
      %dma_wait3A_61 = arith.constant 0 : i32
      %dma_wait3A_62 = tpu.memref_slice %arg2[%add3A, %dma_wait3A, %dma_wait3A_61] : memref<32x81x128xi32, #tpu.memory_space<hbm>> -> memref<1x81x128xi32, #tpu.memory_space<hbm>>
      %dma_wait3A_63 = tpu.memref_squeeze %dma_wait3A_62 : memref<1x81x128xi32, #tpu.memory_space<hbm>> -> memref<81x128xi32, #tpu.memory_space<hbm>>
      %dma_wait3A_64 = arith.constant 0 : i32
      %dma_wait3A_65 = arith.constant 0 : i32
      %dma_wait3A_66 = tpu.memref_slice %arg2[%add3A, %dma_wait3A_64, %dma_wait3A_65] : memref<32x81x128xi32, #tpu.memory_space<hbm>> -> memref<1x81x128xi32, #tpu.memory_space<hbm>>
      %dma_wait3A_67 = tpu.memref_squeeze %dma_wait3A_66 : memref<1x81x128xi32, #tpu.memory_space<hbm>> -> memref<81x128xi32, #tpu.memory_space<hbm>>
      tpu.wait_dma2 semaphore(%run_scoped3A : memref<!tpu.dma_semaphore, #tpu.memory_space<semaphore_mem>>) src(%dma_wait3A_67 : memref<81x128xi32, #tpu.memory_space<hbm>>) dst(%arg7 : memref<81x128xi32, #tpu.memory_space<vmem>>)
      tpu.yield
    }) : () -> ()
    "tpu.region"() ({
      %run_scoped3A = tpu.sem_alloc : memref<!tpu.dma_semaphore, #tpu.memory_space<semaphore_mem>>
      %dma_start3A_53 = arith.constant 0 : i32
      %dma_start3A_54 = arith.constant 0 : i32
      %dma_start3A_55 = tpu.memref_slice %arg3[%add3A, %dma_start3A_53, %dma_start3A_54] : memref<32x81x128xi32, #tpu.memory_space<hbm>> -> memref<1x81x128xi32, #tpu.memory_space<hbm>>
      %dma_start3A_56 = tpu.memref_squeeze %dma_start3A_55 : memref<1x81x128xi32, #tpu.memory_space<hbm>> -> memref<81x128xi32, #tpu.memory_space<hbm>>
      %dma_start3A_57 = arith.constant 0 : i32
      %dma_start3A_58 = arith.constant 0 : i32
      %dma_start3A_59 = tpu.memref_slice %arg3[%add3A, %dma_start3A_57, %dma_start3A_58] : memref<32x81x128xi32, #tpu.memory_space<hbm>> -> memref<1x81x128xi32, #tpu.memory_space<hbm>>
      %dma_start3A_60 = tpu.memref_squeeze %dma_start3A_59 : memref<1x81x128xi32, #tpu.memory_space<hbm>> -> memref<81x128xi32, #tpu.memory_space<hbm>>
      tpu.enqueue_dma source(%dma_start3A_60 : memref<81x128xi32, #tpu.memory_space<hbm>>) target(%arg8 : memref<81x128xi32, #tpu.memory_space<vmem>>) target_semaphore(%run_scoped3A : memref<!tpu.dma_semaphore, #tpu.memory_space<semaphore_mem>>)
      %dma_wait3A = arith.constant 0 : i32
      %dma_wait3A_61 = arith.constant 0 : i32
      %dma_wait3A_62 = tpu.memref_slice %arg3[%add3A, %dma_wait3A, %dma_wait3A_61] : memref<32x81x128xi32, #tpu.memory_space<hbm>> -> memref<1x81x128xi32, #tpu.memory_space<hbm>>
      %dma_wait3A_63 = tpu.memref_squeeze %dma_wait3A_62 : memref<1x81x128xi32, #tpu.memory_space<hbm>> -> memref<81x128xi32, #tpu.memory_space<hbm>>
      %dma_wait3A_64 = arith.constant 0 : i32
      %dma_wait3A_65 = arith.constant 0 : i32
      %dma_wait3A_66 = tpu.memref_slice %arg3[%add3A, %dma_wait3A_64, %dma_wait3A_65] : memref<32x81x128xi32, #tpu.memory_space<hbm>> -> memref<1x81x128xi32, #tpu.memory_space<hbm>>
      %dma_wait3A_67 = tpu.memref_squeeze %dma_wait3A_66 : memref<1x81x128xi32, #tpu.memory_space<hbm>> -> memref<81x128xi32, #tpu.memory_space<hbm>>
      tpu.wait_dma2 semaphore(%run_scoped3A : memref<!tpu.dma_semaphore, #tpu.memory_space<semaphore_mem>>) src(%dma_wait3A_67 : memref<81x128xi32, #tpu.memory_space<hbm>>) dst(%arg8 : memref<81x128xi32, #tpu.memory_space<vmem>>)
      tpu.yield
    }) : () -> ()
    %mul3A_1 = arith.constant 640 : i32
    %mul3A_2 = arith.muli %arg1, %mul3A_1 : i32
    %mul3A_3 = arith.constant 640 : i32
    %mul3A_4 = arith.muli %arg1, %mul3A_3 : i32
    "tpu.region"() ({
      %run_scoped3A = tpu.sem_alloc : memref<!tpu.dma_semaphore, #tpu.memory_space<semaphore_mem>>
      %dma_start3A_53 = arith.constant 0 : i32
      %dma_start3A_54 = tpu.memref_slice %arg10[%mul3A_4, %dma_start3A_53] : memref<10240x32xf32, #tpu.memory_space<vmem_shared>> -> memref<640x32xf32, #tpu.memory_space<vmem_shared>>
      %dma_start3A_55 = arith.constant 0 : i32
      %dma_start3A_56 = tpu.memref_slice %arg4[%mul3A_2, %dma_start3A_55] : memref<10240x32xf32, #tpu.memory_space<hbm>> -> memref<640x32xf32, #tpu.memory_space<hbm>>
      tpu.enqueue_dma source(%dma_start3A_56 : memref<640x32xf32, #tpu.memory_space<hbm>>) target(%dma_start3A_54 : memref<640x32xf32, #tpu.memory_space<vmem_shared>>) target_semaphore(%run_scoped3A : memref<!tpu.dma_semaphore, #tpu.memory_space<semaphore_mem>>)
      %dma_wait3A = arith.constant 0 : i32
      %dma_wait3A_57 = tpu.memref_slice %arg10[%mul3A_4, %dma_wait3A] : memref<10240x32xf32, #tpu.memory_space<vmem_shared>> -> memref<640x32xf32, #tpu.memory_space<vmem_shared>>
      %dma_wait3A_58 = arith.constant 0 : i32
      %dma_wait3A_59 = tpu.memref_slice %arg4[%mul3A_2, %dma_wait3A_58] : memref<10240x32xf32, #tpu.memory_space<hbm>> -> memref<640x32xf32, #tpu.memory_space<hbm>>
      tpu.wait_dma2 semaphore(%run_scoped3A : memref<!tpu.dma_semaphore, #tpu.memory_space<semaphore_mem>>) src(%dma_wait3A_59 : memref<640x32xf32, #tpu.memory_space<hbm>>) dst(%dma_wait3A_57 : memref<640x32xf32, #tpu.memory_space<vmem_shared>>)
      tpu.yield
    }) : () -> ()
    %mul3A_5 = arith.constant 640 : i32
    %mul3A_6 = arith.muli %arg1, %mul3A_5 : i32
    %mul3A_7 = arith.constant 640 : i32
    %mul3A_8 = arith.muli %arg1, %mul3A_7 : i32
    "tpu.region"() ({
      %run_scoped3A = tpu.sem_alloc : memref<!tpu.dma_semaphore, #tpu.memory_space<semaphore_mem>>
      %dma_start3A_53 = arith.constant 0 : i32
      %dma_start3A_54 = tpu.memref_slice %arg11[%mul3A_8, %dma_start3A_53] : memref<10240x32xf32, #tpu.memory_space<vmem_shared>> -> memref<640x32xf32, #tpu.memory_space<vmem_shared>>
      %dma_start3A_55 = arith.constant 0 : i32
      %dma_start3A_56 = tpu.memref_slice %arg5[%mul3A_6, %dma_start3A_55] : memref<10240x32xf32, #tpu.memory_space<hbm>> -> memref<640x32xf32, #tpu.memory_space<hbm>>
      tpu.enqueue_dma source(%dma_start3A_56 : memref<640x32xf32, #tpu.memory_space<hbm>>) target(%dma_start3A_54 : memref<640x32xf32, #tpu.memory_space<vmem_shared>>) target_semaphore(%run_scoped3A : memref<!tpu.dma_semaphore, #tpu.memory_space<semaphore_mem>>)
      %dma_wait3A = arith.constant 0 : i32
      %dma_wait3A_57 = tpu.memref_slice %arg11[%mul3A_8, %dma_wait3A] : memref<10240x32xf32, #tpu.memory_space<vmem_shared>> -> memref<640x32xf32, #tpu.memory_space<vmem_shared>>
      %dma_wait3A_58 = arith.constant 0 : i32
      %dma_wait3A_59 = tpu.memref_slice %arg5[%mul3A_6, %dma_wait3A_58] : memref<10240x32xf32, #tpu.memory_space<hbm>> -> memref<640x32xf32, #tpu.memory_space<hbm>>
      tpu.wait_dma2 semaphore(%run_scoped3A : memref<!tpu.dma_semaphore, #tpu.memory_space<semaphore_mem>>) src(%dma_wait3A_59 : memref<640x32xf32, #tpu.memory_space<hbm>>) dst(%dma_wait3A_57 : memref<640x32xf32, #tpu.memory_space<vmem_shared>>)
      tpu.yield
    }) : () -> ()
    %barrier3A = arith.constant 0 : index
    tpu.barrier barrier_id(%barrier3A)
    %dma_start3A = arith.constant 0 : i32
    %dma_start3A_9 = arith.constant 0 : i32
    %dma_start3A_10 = arith.constant 0 : i32
    %dma_start3A_11 = arith.constant 0 : i32
    %dma_start3A_12 = tpu.memref_slice %arg9[%dma_start3A_9, %dma_start3A_10, %dma_start3A_11] : memref<3x128x32xf32, #tpu.memory_space<vmem>> -> memref<1x128x32xf32, #tpu.memory_space<vmem>>
    %dma_start3A_13 = tpu.memref_squeeze %dma_start3A_12 : memref<1x128x32xf32, #tpu.memory_space<vmem>> -> memref<128x32xf32, #tpu.memory_space<vmem>>
    %dma_start3A_14 = arith.constant 0 : i32
    %dma_start3A_15 = tpu.memref_slice %arg7[%dma_start3A, %dma_start3A_14] : memref<81x128xi32, #tpu.memory_space<vmem>> -> memref<1x128xi32, #tpu.memory_space<vmem>>
    %dma_start3A_16 = tpu.memref_squeeze %dma_start3A_15 : memref<1x128xi32, #tpu.memory_space<vmem>> -> memref<128xi32, #tpu.memory_space<vmem>>
    %dma_start3A_17 = arith.constant 0 : i32
    %dma_start3A_18 = arith.constant 0 : i32
    %dma_start3A_19 = tpu.memref_slice %arg10[%dma_start3A_17, %dma_start3A_18] : memref<10240x32xf32, #tpu.memory_space<vmem_shared>> -> memref<10240x32xf32, #tpu.memory_space<vmem_shared>>
    tpu.enqueue_indirect_dma source(%dma_start3A_19 : memref<10240x32xf32, #tpu.memory_space<vmem_shared>>) target(%dma_start3A_13 : memref<128x32xf32, #tpu.memory_space<vmem>>) offsets(%dma_start3A_16 : memref<128xi32, #tpu.memory_space<vmem>>) semaphore(%arg12 : memref<!tpu.dma_semaphore, #tpu.memory_space<semaphore_mem>>)
    %dma_start3A_20 = arith.constant 1 : i32
    %dma_start3A_21 = arith.constant 1 : i32
    %dma_start3A_22 = arith.constant 0 : i32
    %dma_start3A_23 = arith.constant 0 : i32
    %dma_start3A_24 = tpu.memref_slice %arg9[%dma_start3A_21, %dma_start3A_22, %dma_start3A_23] : memref<3x128x32xf32, #tpu.memory_space<vmem>> -> memref<1x128x32xf32, #tpu.memory_space<vmem>>
    %dma_start3A_25 = tpu.memref_squeeze %dma_start3A_24 : memref<1x128x32xf32, #tpu.memory_space<vmem>> -> memref<128x32xf32, #tpu.memory_space<vmem>>
    %dma_start3A_26 = arith.constant 0 : i32
    %dma_start3A_27 = tpu.memref_slice %arg7[%dma_start3A_20, %dma_start3A_26] : memref<81x128xi32, #tpu.memory_space<vmem>> -> memref<1x128xi32, #tpu.memory_space<vmem>>
    %dma_start3A_28 = tpu.memref_squeeze %dma_start3A_27 : memref<1x128xi32, #tpu.memory_space<vmem>> -> memref<128xi32, #tpu.memory_space<vmem>>
    %dma_start3A_29 = arith.constant 0 : i32
    %dma_start3A_30 = arith.constant 0 : i32
    %dma_start3A_31 = tpu.memref_slice %arg10[%dma_start3A_29, %dma_start3A_30] : memref<10240x32xf32, #tpu.memory_space<vmem_shared>> -> memref<10240x32xf32, #tpu.memory_space<vmem_shared>>
    tpu.enqueue_indirect_dma source(%dma_start3A_31 : memref<10240x32xf32, #tpu.memory_space<vmem_shared>>) target(%dma_start3A_25 : memref<128x32xf32, #tpu.memory_space<vmem>>) offsets(%dma_start3A_28 : memref<128xi32, #tpu.memory_space<vmem>>) semaphore(%arg13 : memref<!tpu.dma_semaphore, #tpu.memory_space<semaphore_mem>>)
    %dma_start3A_32 = arith.constant 2 : i32
    %dma_start3A_33 = arith.constant 2 : i32
    %dma_start3A_34 = arith.constant 0 : i32
    %dma_start3A_35 = arith.constant 0 : i32
    %dma_start3A_36 = tpu.memref_slice %arg9[%dma_start3A_33, %dma_start3A_34, %dma_start3A_35] : memref<3x128x32xf32, #tpu.memory_space<vmem>> -> memref<1x128x32xf32, #tpu.memory_space<vmem>>
    %dma_start3A_37 = tpu.memref_squeeze %dma_start3A_36 : memref<1x128x32xf32, #tpu.memory_space<vmem>> -> memref<128x32xf32, #tpu.memory_space<vmem>>
    %dma_start3A_38 = arith.constant 0 : i32
    %dma_start3A_39 = tpu.memref_slice %arg7[%dma_start3A_32, %dma_start3A_38] : memref<81x128xi32, #tpu.memory_space<vmem>> -> memref<1x128xi32, #tpu.memory_space<vmem>>
    %dma_start3A_40 = tpu.memref_squeeze %dma_start3A_39 : memref<1x128xi32, #tpu.memory_space<vmem>> -> memref<128xi32, #tpu.memory_space<vmem>>
    %dma_start3A_41 = arith.constant 0 : i32
    %dma_start3A_42 = arith.constant 0 : i32
    %dma_start3A_43 = tpu.memref_slice %arg10[%dma_start3A_41, %dma_start3A_42] : memref<10240x32xf32, #tpu.memory_space<vmem_shared>> -> memref<10240x32xf32, #tpu.memory_space<vmem_shared>>
    tpu.enqueue_indirect_dma source(%dma_start3A_43 : memref<10240x32xf32, #tpu.memory_space<vmem_shared>>) target(%dma_start3A_37 : memref<128x32xf32, #tpu.memory_space<vmem>>) offsets(%dma_start3A_40 : memref<128xi32, #tpu.memory_space<vmem>>) semaphore(%arg14 : memref<!tpu.dma_semaphore, #tpu.memory_space<semaphore_mem>>)
    %scan3A = arith.constant 0 : i32
    %scan3A_44 = arith.constant 27 : i32
    %scan3A_45 = arith.addi %scan3A, %scan3A_44 : i32
    %scan3A_46 = arith.constant 1 : i32
    scf.for %scan3A_53 = %scan3A to %scan3A_45 step %scan3A_46  : i32 {
      %mul3A_54 = arith.constant 3 : i32
      %mul3A_55 = arith.muli %scan3A_53, %mul3A_54 : i32
      %add3A_56 = arith.constant 0 : i32
      %add3A_57 = arith.addi %mul3A_55, %add3A_56 : i32
      %dma_wait3A = arith.constant 0 : i32
      %dma_wait3A_58 = arith.constant 0 : i32
      %dma_wait3A_59 = arith.constant 0 : i32
      %dma_wait3A_60 = tpu.memref_slice %arg9[%dma_wait3A, %dma_wait3A_58, %dma_wait3A_59] : memref<3x128x32xf32, #tpu.memory_space<vmem>> -> memref<1x128x32xf32, #tpu.memory_space<vmem>>
      %dma_wait3A_61 = tpu.memref_squeeze %dma_wait3A_60 : memref<1x128x32xf32, #tpu.memory_space<vmem>> -> memref<128x32xf32, #tpu.memory_space<vmem>>
      %dma_wait3A_62 = arith.constant 0 : i32
      %dma_wait3A_63 = tpu.memref_slice %arg7[%add3A_57, %dma_wait3A_62] : memref<81x128xi32, #tpu.memory_space<vmem>> -> memref<1x128xi32, #tpu.memory_space<vmem>>
      %dma_wait3A_64 = tpu.memref_squeeze %dma_wait3A_63 : memref<1x128xi32, #tpu.memory_space<vmem>> -> memref<128xi32, #tpu.memory_space<vmem>>
      %dma_wait3A_65 = arith.constant 0 : i32
      %dma_wait3A_66 = arith.constant 0 : i32
      %dma_wait3A_67 = tpu.memref_slice %arg10[%dma_wait3A_65, %dma_wait3A_66] : memref<10240x32xf32, #tpu.memory_space<vmem_shared>> -> memref<10240x32xf32, #tpu.memory_space<vmem_shared>>
      tpu.wait_indirect_dma semaphore(%arg12 : memref<!tpu.dma_semaphore, #tpu.memory_space<semaphore_mem>>) src(%dma_wait3A_67 : memref<10240x32xf32, #tpu.memory_space<vmem_shared>>) dst(%dma_wait3A_61 : memref<128x32xf32, #tpu.memory_space<vmem>>)
      %run_scoped3A = arith.constant 0 : i32
      "tpu.region"() ({
        %run_scoped3A_118 = tpu.sem_alloc : memref<!tpu.dma_semaphore, #tpu.memory_space<semaphore_mem>>
        %dma_start3A_119 = arith.constant 0 : i32
        %dma_start3A_120 = arith.constant 0 : i32
        %dma_start3A_121 = tpu.memref_slice %arg9[%run_scoped3A, %dma_start3A_119, %dma_start3A_120] : memref<3x128x32xf32, #tpu.memory_space<vmem>> -> memref<1x128x32xf32, #tpu.memory_space<vmem>>
        %dma_start3A_122 = tpu.memref_squeeze %dma_start3A_121 : memref<1x128x32xf32, #tpu.memory_space<vmem>> -> memref<128x32xf32, #tpu.memory_space<vmem>>
        %dma_start3A_123 = arith.constant 0 : i32
        %dma_start3A_124 = tpu.memref_slice %arg8[%add3A_57, %dma_start3A_123] : memref<81x128xi32, #tpu.memory_space<vmem>> -> memref<1x128xi32, #tpu.memory_space<vmem>>
        %dma_start3A_125 = tpu.memref_squeeze %dma_start3A_124 : memref<1x128xi32, #tpu.memory_space<vmem>> -> memref<128xi32, #tpu.memory_space<vmem>>
        %dma_start3A_126 = arith.constant 0 : i32
        %dma_start3A_127 = arith.constant 0 : i32
        %dma_start3A_128 = tpu.memref_slice %arg11[%dma_start3A_126, %dma_start3A_127] : memref<10240x32xf32, #tpu.memory_space<vmem_shared>> -> memref<10240x32xf32, #tpu.memory_space<vmem_shared>>
        tpu.enqueue_indirect_dma source(%dma_start3A_122 : memref<128x32xf32, #tpu.memory_space<vmem>>) target(%dma_start3A_128 : memref<10240x32xf32, #tpu.memory_space<vmem_shared>>) offsets(%dma_start3A_125 : memref<128xi32, #tpu.memory_space<vmem>>) semaphore(%run_scoped3A_118 : memref<!tpu.dma_semaphore, #tpu.memory_space<semaphore_mem>>) {add = true}
        %dma_wait3A_129 = arith.constant 0 : i32
        %dma_wait3A_130 = arith.constant 0 : i32
        %dma_wait3A_131 = tpu.memref_slice %arg9[%run_scoped3A, %dma_wait3A_129, %dma_wait3A_130] : memref<3x128x32xf32, #tpu.memory_space<vmem>> -> memref<1x128x32xf32, #tpu.memory_space<vmem>>
        %dma_wait3A_132 = tpu.memref_squeeze %dma_wait3A_131 : memref<1x128x32xf32, #tpu.memory_space<vmem>> -> memref<128x32xf32, #tpu.memory_space<vmem>>
        %dma_wait3A_133 = arith.constant 0 : i32
        %dma_wait3A_134 = tpu.memref_slice %arg8[%add3A_57, %dma_wait3A_133] : memref<81x128xi32, #tpu.memory_space<vmem>> -> memref<1x128xi32, #tpu.memory_space<vmem>>
        %dma_wait3A_135 = tpu.memref_squeeze %dma_wait3A_134 : memref<1x128xi32, #tpu.memory_space<vmem>> -> memref<128xi32, #tpu.memory_space<vmem>>
        %dma_wait3A_136 = arith.constant 0 : i32
        %dma_wait3A_137 = arith.constant 0 : i32
        %dma_wait3A_138 = tpu.memref_slice %arg11[%dma_wait3A_136, %dma_wait3A_137] : memref<10240x32xf32, #tpu.memory_space<vmem_shared>> -> memref<10240x32xf32, #tpu.memory_space<vmem_shared>>
        tpu.wait_indirect_dma semaphore(%run_scoped3A_118 : memref<!tpu.dma_semaphore, #tpu.memory_space<semaphore_mem>>) src(%dma_wait3A_132 : memref<128x32xf32, #tpu.memory_space<vmem>>) dst(%dma_wait3A_138 : memref<10240x32xf32, #tpu.memory_space<vmem_shared>>)
        tpu.yield
      }) : () -> ()
      %add3A_68 = arith.constant 3 : i32
      %add3A_69 = arith.addi %add3A_57, %add3A_68 : i32
      %lt3A = arith.constant 81 : i32
      %lt3A_70 = arith.cmpi slt, %add3A_69, %lt3A : i32
      %convert_element_type3A = arith.extui %lt3A_70 : i1 to i32
      %cond3A = arith.constant 0 : i32
      %cond3A_71 = arith.cmpi ne, %convert_element_type3A, %cond3A : i32
      scf.if %cond3A_71 {
        %dma_start3A_118 = arith.constant 0 : i32
        %dma_start3A_119 = arith.constant 0 : i32
        %dma_start3A_120 = arith.constant 0 : i32
        %dma_start3A_121 = tpu.memref_slice %arg9[%dma_start3A_118, %dma_start3A_119, %dma_start3A_120] : memref<3x128x32xf32, #tpu.memory_space<vmem>> -> memref<1x128x32xf32, #tpu.memory_space<vmem>>
        %dma_start3A_122 = tpu.memref_squeeze %dma_start3A_121 : memref<1x128x32xf32, #tpu.memory_space<vmem>> -> memref<128x32xf32, #tpu.memory_space<vmem>>
        %dma_start3A_123 = arith.constant 0 : i32
        %dma_start3A_124 = tpu.memref_slice %arg7[%add3A_69, %dma_start3A_123] : memref<81x128xi32, #tpu.memory_space<vmem>> -> memref<1x128xi32, #tpu.memory_space<vmem>>
        %dma_start3A_125 = tpu.memref_squeeze %dma_start3A_124 : memref<1x128xi32, #tpu.memory_space<vmem>> -> memref<128xi32, #tpu.memory_space<vmem>>
        %dma_start3A_126 = arith.constant 0 : i32
        %dma_start3A_127 = arith.constant 0 : i32
        %dma_start3A_128 = tpu.memref_slice %arg10[%dma_start3A_126, %dma_start3A_127] : memref<10240x32xf32, #tpu.memory_space<vmem_shared>> -> memref<10240x32xf32, #tpu.memory_space<vmem_shared>>
        tpu.enqueue_indirect_dma source(%dma_start3A_128 : memref<10240x32xf32, #tpu.memory_space<vmem_shared>>) target(%dma_start3A_122 : memref<128x32xf32, #tpu.memory_space<vmem>>) offsets(%dma_start3A_125 : memref<128xi32, #tpu.memory_space<vmem>>) semaphore(%arg12 : memref<!tpu.dma_semaphore, #tpu.memory_space<semaphore_mem>>)
      } else {
      }
      %mul3A_72 = arith.constant 3 : i32
      %mul3A_73 = arith.muli %scan3A_53, %mul3A_72 : i32
      %add3A_74 = arith.constant 1 : i32
      %add3A_75 = arith.addi %mul3A_73, %add3A_74 : i32
      %dma_wait3A_76 = arith.constant 1 : i32
      %dma_wait3A_77 = arith.constant 0 : i32
      %dma_wait3A_78 = arith.constant 0 : i32
      %dma_wait3A_79 = tpu.memref_slice %arg9[%dma_wait3A_76, %dma_wait3A_77, %dma_wait3A_78] : memref<3x128x32xf32, #tpu.memory_space<vmem>> -> memref<1x128x32xf32, #tpu.memory_space<vmem>>
      %dma_wait3A_80 = tpu.memref_squeeze %dma_wait3A_79 : memref<1x128x32xf32, #tpu.memory_space<vmem>> -> memref<128x32xf32, #tpu.memory_space<vmem>>
      %dma_wait3A_81 = arith.constant 0 : i32
      %dma_wait3A_82 = tpu.memref_slice %arg7[%add3A_75, %dma_wait3A_81] : memref<81x128xi32, #tpu.memory_space<vmem>> -> memref<1x128xi32, #tpu.memory_space<vmem>>
      %dma_wait3A_83 = tpu.memref_squeeze %dma_wait3A_82 : memref<1x128xi32, #tpu.memory_space<vmem>> -> memref<128xi32, #tpu.memory_space<vmem>>
      %dma_wait3A_84 = arith.constant 0 : i32
      %dma_wait3A_85 = arith.constant 0 : i32
      %dma_wait3A_86 = tpu.memref_slice %arg10[%dma_wait3A_84, %dma_wait3A_85] : memref<10240x32xf32, #tpu.memory_space<vmem_shared>> -> memref<10240x32xf32, #tpu.memory_space<vmem_shared>>
      tpu.wait_indirect_dma semaphore(%arg13 : memref<!tpu.dma_semaphore, #tpu.memory_space<semaphore_mem>>) src(%dma_wait3A_86 : memref<10240x32xf32, #tpu.memory_space<vmem_shared>>) dst(%dma_wait3A_80 : memref<128x32xf32, #tpu.memory_space<vmem>>)
      %run_scoped3A_87 = arith.constant 1 : i32
      "tpu.region"() ({
        %run_scoped3A_118 = tpu.sem_alloc : memref<!tpu.dma_semaphore, #tpu.memory_space<semaphore_mem>>
        %dma_start3A_119 = arith.constant 0 : i32
        %dma_start3A_120 = arith.constant 0 : i32
        %dma_start3A_121 = tpu.memref_slice %arg9[%run_scoped3A_87, %dma_start3A_119, %dma_start3A_120] : memref<3x128x32xf32, #tpu.memory_space<vmem>> -> memref<1x128x32xf32, #tpu.memory_space<vmem>>
        %dma_start3A_122 = tpu.memref_squeeze %dma_start3A_121 : memref<1x128x32xf32, #tpu.memory_space<vmem>> -> memref<128x32xf32, #tpu.memory_space<vmem>>
        %dma_start3A_123 = arith.constant 0 : i32
        %dma_start3A_124 = tpu.memref_slice %arg8[%add3A_75, %dma_start3A_123] : memref<81x128xi32, #tpu.memory_space<vmem>> -> memref<1x128xi32, #tpu.memory_space<vmem>>
        %dma_start3A_125 = tpu.memref_squeeze %dma_start3A_124 : memref<1x128xi32, #tpu.memory_space<vmem>> -> memref<128xi32, #tpu.memory_space<vmem>>
        %dma_start3A_126 = arith.constant 0 : i32
        %dma_start3A_127 = arith.constant 0 : i32
        %dma_start3A_128 = tpu.memref_slice %arg11[%dma_start3A_126, %dma_start3A_127] : memref<10240x32xf32, #tpu.memory_space<vmem_shared>> -> memref<10240x32xf32, #tpu.memory_space<vmem_shared>>
        tpu.enqueue_indirect_dma source(%dma_start3A_122 : memref<128x32xf32, #tpu.memory_space<vmem>>) target(%dma_start3A_128 : memref<10240x32xf32, #tpu.memory_space<vmem_shared>>) offsets(%dma_start3A_125 : memref<128xi32, #tpu.memory_space<vmem>>) semaphore(%run_scoped3A_118 : memref<!tpu.dma_semaphore, #tpu.memory_space<semaphore_mem>>) {add = true}
        %dma_wait3A_129 = arith.constant 0 : i32
        %dma_wait3A_130 = arith.constant 0 : i32
        %dma_wait3A_131 = tpu.memref_slice %arg9[%run_scoped3A_87, %dma_wait3A_129, %dma_wait3A_130] : memref<3x128x32xf32, #tpu.memory_space<vmem>> -> memref<1x128x32xf32, #tpu.memory_space<vmem>>
        %dma_wait3A_132 = tpu.memref_squeeze %dma_wait3A_131 : memref<1x128x32xf32, #tpu.memory_space<vmem>> -> memref<128x32xf32, #tpu.memory_space<vmem>>
        %dma_wait3A_133 = arith.constant 0 : i32
        %dma_wait3A_134 = tpu.memref_slice %arg8[%add3A_75, %dma_wait3A_133] : memref<81x128xi32, #tpu.memory_space<vmem>> -> memref<1x128xi32, #tpu.memory_space<vmem>>
        %dma_wait3A_135 = tpu.memref_squeeze %dma_wait3A_134 : memref<1x128xi32, #tpu.memory_space<vmem>> -> memref<128xi32, #tpu.memory_space<vmem>>
        %dma_wait3A_136 = arith.constant 0 : i32
        %dma_wait3A_137 = arith.constant 0 : i32
        %dma_wait3A_138 = tpu.memref_slice %arg11[%dma_wait3A_136, %dma_wait3A_137] : memref<10240x32xf32, #tpu.memory_space<vmem_shared>> -> memref<10240x32xf32, #tpu.memory_space<vmem_shared>>
        tpu.wait_indirect_dma semaphore(%run_scoped3A_118 : memref<!tpu.dma_semaphore, #tpu.memory_space<semaphore_mem>>) src(%dma_wait3A_132 : memref<128x32xf32, #tpu.memory_space<vmem>>) dst(%dma_wait3A_138 : memref<10240x32xf32, #tpu.memory_space<vmem_shared>>)
        tpu.yield
      }) : () -> ()
      %add3A_88 = arith.constant 3 : i32
      %add3A_89 = arith.addi %add3A_75, %add3A_88 : i32
      %lt3A_90 = arith.constant 81 : i32
      %lt3A_91 = arith.cmpi slt, %add3A_89, %lt3A_90 : i32
      %convert_element_type3A_92 = arith.extui %lt3A_91 : i1 to i32
      %cond3A_93 = arith.constant 0 : i32
      %cond3A_94 = arith.cmpi ne, %convert_element_type3A_92, %cond3A_93 : i32
      scf.if %cond3A_94 {
        %dma_start3A_118 = arith.constant 1 : i32
        %dma_start3A_119 = arith.constant 0 : i32
        %dma_start3A_120 = arith.constant 0 : i32
        %dma_start3A_121 = tpu.memref_slice %arg9[%dma_start3A_118, %dma_start3A_119, %dma_start3A_120] : memref<3x128x32xf32, #tpu.memory_space<vmem>> -> memref<1x128x32xf32, #tpu.memory_space<vmem>>
        %dma_start3A_122 = tpu.memref_squeeze %dma_start3A_121 : memref<1x128x32xf32, #tpu.memory_space<vmem>> -> memref<128x32xf32, #tpu.memory_space<vmem>>
        %dma_start3A_123 = arith.constant 0 : i32
        %dma_start3A_124 = tpu.memref_slice %arg7[%add3A_89, %dma_start3A_123] : memref<81x128xi32, #tpu.memory_space<vmem>> -> memref<1x128xi32, #tpu.memory_space<vmem>>
        %dma_start3A_125 = tpu.memref_squeeze %dma_start3A_124 : memref<1x128xi32, #tpu.memory_space<vmem>> -> memref<128xi32, #tpu.memory_space<vmem>>
        %dma_start3A_126 = arith.constant 0 : i32
        %dma_start3A_127 = arith.constant 0 : i32
        %dma_start3A_128 = tpu.memref_slice %arg10[%dma_start3A_126, %dma_start3A_127] : memref<10240x32xf32, #tpu.memory_space<vmem_shared>> -> memref<10240x32xf32, #tpu.memory_space<vmem_shared>>
        tpu.enqueue_indirect_dma source(%dma_start3A_128 : memref<10240x32xf32, #tpu.memory_space<vmem_shared>>) target(%dma_start3A_122 : memref<128x32xf32, #tpu.memory_space<vmem>>) offsets(%dma_start3A_125 : memref<128xi32, #tpu.memory_space<vmem>>) semaphore(%arg13 : memref<!tpu.dma_semaphore, #tpu.memory_space<semaphore_mem>>)
      } else {
      }
      %mul3A_95 = arith.constant 3 : i32
      %mul3A_96 = arith.muli %scan3A_53, %mul3A_95 : i32
      %add3A_97 = arith.constant 2 : i32
      %add3A_98 = arith.addi %mul3A_96, %add3A_97 : i32
      %dma_wait3A_99 = arith.constant 2 : i32
      %dma_wait3A_100 = arith.constant 0 : i32
      %dma_wait3A_101 = arith.constant 0 : i32
      %dma_wait3A_102 = tpu.memref_slice %arg9[%dma_wait3A_99, %dma_wait3A_100, %dma_wait3A_101] : memref<3x128x32xf32, #tpu.memory_space<vmem>> -> memref<1x128x32xf32, #tpu.memory_space<vmem>>
      %dma_wait3A_103 = tpu.memref_squeeze %dma_wait3A_102 : memref<1x128x32xf32, #tpu.memory_space<vmem>> -> memref<128x32xf32, #tpu.memory_space<vmem>>
      %dma_wait3A_104 = arith.constant 0 : i32
      %dma_wait3A_105 = tpu.memref_slice %arg7[%add3A_98, %dma_wait3A_104] : memref<81x128xi32, #tpu.memory_space<vmem>> -> memref<1x128xi32, #tpu.memory_space<vmem>>
      %dma_wait3A_106 = tpu.memref_squeeze %dma_wait3A_105 : memref<1x128xi32, #tpu.memory_space<vmem>> -> memref<128xi32, #tpu.memory_space<vmem>>
      %dma_wait3A_107 = arith.constant 0 : i32
      %dma_wait3A_108 = arith.constant 0 : i32
      %dma_wait3A_109 = tpu.memref_slice %arg10[%dma_wait3A_107, %dma_wait3A_108] : memref<10240x32xf32, #tpu.memory_space<vmem_shared>> -> memref<10240x32xf32, #tpu.memory_space<vmem_shared>>
      tpu.wait_indirect_dma semaphore(%arg14 : memref<!tpu.dma_semaphore, #tpu.memory_space<semaphore_mem>>) src(%dma_wait3A_109 : memref<10240x32xf32, #tpu.memory_space<vmem_shared>>) dst(%dma_wait3A_103 : memref<128x32xf32, #tpu.memory_space<vmem>>)
      %run_scoped3A_110 = arith.constant 2 : i32
      "tpu.region"() ({
        %run_scoped3A_118 = tpu.sem_alloc : memref<!tpu.dma_semaphore, #tpu.memory_space<semaphore_mem>>
        %dma_start3A_119 = arith.constant 0 : i32
        %dma_start3A_120 = arith.constant 0 : i32
        %dma_start3A_121 = tpu.memref_slice %arg9[%run_scoped3A_110, %dma_start3A_119, %dma_start3A_120] : memref<3x128x32xf32, #tpu.memory_space<vmem>> -> memref<1x128x32xf32, #tpu.memory_space<vmem>>
        %dma_start3A_122 = tpu.memref_squeeze %dma_start3A_121 : memref<1x128x32xf32, #tpu.memory_space<vmem>> -> memref<128x32xf32, #tpu.memory_space<vmem>>
        %dma_start3A_123 = arith.constant 0 : i32
        %dma_start3A_124 = tpu.memref_slice %arg8[%add3A_98, %dma_start3A_123] : memref<81x128xi32, #tpu.memory_space<vmem>> -> memref<1x128xi32, #tpu.memory_space<vmem>>
        %dma_start3A_125 = tpu.memref_squeeze %dma_start3A_124 : memref<1x128xi32, #tpu.memory_space<vmem>> -> memref<128xi32, #tpu.memory_space<vmem>>
        %dma_start3A_126 = arith.constant 0 : i32
        %dma_start3A_127 = arith.constant 0 : i32
        %dma_start3A_128 = tpu.memref_slice %arg11[%dma_start3A_126, %dma_start3A_127] : memref<10240x32xf32, #tpu.memory_space<vmem_shared>> -> memref<10240x32xf32, #tpu.memory_space<vmem_shared>>
        tpu.enqueue_indirect_dma source(%dma_start3A_122 : memref<128x32xf32, #tpu.memory_space<vmem>>) target(%dma_start3A_128 : memref<10240x32xf32, #tpu.memory_space<vmem_shared>>) offsets(%dma_start3A_125 : memref<128xi32, #tpu.memory_space<vmem>>) semaphore(%run_scoped3A_118 : memref<!tpu.dma_semaphore, #tpu.memory_space<semaphore_mem>>) {add = true}
        %dma_wait3A_129 = arith.constant 0 : i32
        %dma_wait3A_130 = arith.constant 0 : i32
        %dma_wait3A_131 = tpu.memref_slice %arg9[%run_scoped3A_110, %dma_wait3A_129, %dma_wait3A_130] : memref<3x128x32xf32, #tpu.memory_space<vmem>> -> memref<1x128x32xf32, #tpu.memory_space<vmem>>
        %dma_wait3A_132 = tpu.memref_squeeze %dma_wait3A_131 : memref<1x128x32xf32, #tpu.memory_space<vmem>> -> memref<128x32xf32, #tpu.memory_space<vmem>>
        %dma_wait3A_133 = arith.constant 0 : i32
        %dma_wait3A_134 = tpu.memref_slice %arg8[%add3A_98, %dma_wait3A_133] : memref<81x128xi32, #tpu.memory_space<vmem>> -> memref<1x128xi32, #tpu.memory_space<vmem>>
        %dma_wait3A_135 = tpu.memref_squeeze %dma_wait3A_134 : memref<1x128xi32, #tpu.memory_space<vmem>> -> memref<128xi32, #tpu.memory_space<vmem>>
        %dma_wait3A_136 = arith.constant 0 : i32
        %dma_wait3A_137 = arith.constant 0 : i32
        %dma_wait3A_138 = tpu.memref_slice %arg11[%dma_wait3A_136, %dma_wait3A_137] : memref<10240x32xf32, #tpu.memory_space<vmem_shared>> -> memref<10240x32xf32, #tpu.memory_space<vmem_shared>>
        tpu.wait_indirect_dma semaphore(%run_scoped3A_118 : memref<!tpu.dma_semaphore, #tpu.memory_space<semaphore_mem>>) src(%dma_wait3A_132 : memref<128x32xf32, #tpu.memory_space<vmem>>) dst(%dma_wait3A_138 : memref<10240x32xf32, #tpu.memory_space<vmem_shared>>)
        tpu.yield
      }) : () -> ()
      %add3A_111 = arith.constant 3 : i32
      %add3A_112 = arith.addi %add3A_98, %add3A_111 : i32
      %lt3A_113 = arith.constant 81 : i32
      %lt3A_114 = arith.cmpi slt, %add3A_112, %lt3A_113 : i32
      %convert_element_type3A_115 = arith.extui %lt3A_114 : i1 to i32
      %cond3A_116 = arith.constant 0 : i32
      %cond3A_117 = arith.cmpi ne, %convert_element_type3A_115, %cond3A_116 : i32
      scf.if %cond3A_117 {
        %dma_start3A_118 = arith.constant 2 : i32
        %dma_start3A_119 = arith.constant 0 : i32
        %dma_start3A_120 = arith.constant 0 : i32
        %dma_start3A_121 = tpu.memref_slice %arg9[%dma_start3A_118, %dma_start3A_119, %dma_start3A_120] : memref<3x128x32xf32, #tpu.memory_space<vmem>> -> memref<1x128x32xf32, #tpu.memory_space<vmem>>
        %dma_start3A_122 = tpu.memref_squeeze %dma_start3A_121 : memref<1x128x32xf32, #tpu.memory_space<vmem>> -> memref<128x32xf32, #tpu.memory_space<vmem>>
        %dma_start3A_123 = arith.constant 0 : i32
        %dma_start3A_124 = tpu.memref_slice %arg7[%add3A_112, %dma_start3A_123] : memref<81x128xi32, #tpu.memory_space<vmem>> -> memref<1x128xi32, #tpu.memory_space<vmem>>
        %dma_start3A_125 = tpu.memref_squeeze %dma_start3A_124 : memref<1x128xi32, #tpu.memory_space<vmem>> -> memref<128xi32, #tpu.memory_space<vmem>>
        %dma_start3A_126 = arith.constant 0 : i32
        %dma_start3A_127 = arith.constant 0 : i32
        %dma_start3A_128 = tpu.memref_slice %arg10[%dma_start3A_126, %dma_start3A_127] : memref<10240x32xf32, #tpu.memory_space<vmem_shared>> -> memref<10240x32xf32, #tpu.memory_space<vmem_shared>>
        tpu.enqueue_indirect_dma source(%dma_start3A_128 : memref<10240x32xf32, #tpu.memory_space<vmem_shared>>) target(%dma_start3A_122 : memref<128x32xf32, #tpu.memory_space<vmem>>) offsets(%dma_start3A_125 : memref<128xi32, #tpu.memory_space<vmem>>) semaphore(%arg14 : memref<!tpu.dma_semaphore, #tpu.memory_space<semaphore_mem>>)
      } else {
      }
    }
    %scan3A_47 = arith.constant 27 : i32
    %barrier3A_48 = arith.constant 0 : index
    tpu.barrier barrier_id(%barrier3A_48)
    %mul3A_49 = arith.constant 640 : i32
    %mul3A_50 = arith.muli %arg1, %mul3A_49 : i32
    %mul3A_51 = arith.constant 640 : i32
    %mul3A_52 = arith.muli %arg1, %mul3A_51 : i32
    "tpu.region"() ({
      %run_scoped3A = tpu.sem_alloc : memref<!tpu.dma_semaphore, #tpu.memory_space<semaphore_mem>>
      %dma_start3A_53 = arith.constant 0 : i32
      %dma_start3A_54 = arith.constant 0 : i32
      %dma_start3A_55 = tpu.memref_slice %arg6[%arg0, %dma_start3A_53, %dma_start3A_54] : memref<2x10240x32xf32, #tpu.memory_space<hbm>> -> memref<1x10240x32xf32, #tpu.memory_space<hbm>>
      %dma_start3A_56 = tpu.memref_squeeze %dma_start3A_55 : memref<1x10240x32xf32, #tpu.memory_space<hbm>> -> memref<10240x32xf32, #tpu.memory_space<hbm>>
      %dma_start3A_57 = arith.constant 0 : i32
      %dma_start3A_58 = tpu.memref_slice %dma_start3A_56[%mul3A_52, %dma_start3A_57] : memref<10240x32xf32, #tpu.memory_space<hbm>> -> memref<640x32xf32, #tpu.memory_space<hbm>>
      %dma_start3A_59 = arith.constant 0 : i32
      %dma_start3A_60 = tpu.memref_slice %arg11[%mul3A_50, %dma_start3A_59] : memref<10240x32xf32, #tpu.memory_space<vmem_shared>> -> memref<640x32xf32, #tpu.memory_space<vmem_shared>>
      tpu.enqueue_dma source(%dma_start3A_60 : memref<640x32xf32, #tpu.memory_space<vmem_shared>>) target(%dma_start3A_58 : memref<640x32xf32, #tpu.memory_space<hbm>>) target_semaphore(%run_scoped3A : memref<!tpu.dma_semaphore, #tpu.memory_space<semaphore_mem>>)
      %dma_wait3A = arith.constant 0 : i32
      %dma_wait3A_61 = arith.constant 0 : i32
      %dma_wait3A_62 = tpu.memref_slice %arg6[%arg0, %dma_wait3A, %dma_wait3A_61] : memref<2x10240x32xf32, #tpu.memory_space<hbm>> -> memref<1x10240x32xf32, #tpu.memory_space<hbm>>
      %dma_wait3A_63 = tpu.memref_squeeze %dma_wait3A_62 : memref<1x10240x32xf32, #tpu.memory_space<hbm>> -> memref<10240x32xf32, #tpu.memory_space<hbm>>
      %dma_wait3A_64 = arith.constant 0 : i32
      %dma_wait3A_65 = tpu.memref_slice %dma_wait3A_63[%mul3A_52, %dma_wait3A_64] : memref<10240x32xf32, #tpu.memory_space<hbm>> -> memref<640x32xf32, #tpu.memory_space<hbm>>
      %dma_wait3A_66 = arith.constant 0 : i32
      %dma_wait3A_67 = tpu.memref_slice %arg11[%mul3A_50, %dma_wait3A_66] : memref<10240x32xf32, #tpu.memory_space<vmem_shared>> -> memref<640x32xf32, #tpu.memory_space<vmem_shared>>
      tpu.wait_dma2 semaphore(%run_scoped3A : memref<!tpu.dma_semaphore, #tpu.memory_space<semaphore_mem>>) src(%dma_wait3A_67 : memref<640x32xf32, #tpu.memory_space<vmem_shared>>) dst(%dma_wait3A_65 : memref<640x32xf32, #tpu.memory_space<hbm>>)
      tpu.yield
    }) : () -> ()
    return
  }
}

module attributes {stable_mosaic.version = 14 : i64} {
  func.func @_tc_u_body(%arg0: memref<10240x128xf32, #tpu.memory_space<vmem>>, %arg1: memref<512x128xf32, #tpu.memory_space<vmem>>, %arg2: memref<2560x128xf32, #tpu.memory_space<vmem>>) attributes {dimension_semantics = [], scalar_prefetch = 0 : i64, scratch_operands = 0 : i64, tpu.core_type = #tpu.core_type<tc>} {
    %get3A = arith.constant 0 : index
    %get3A_0 = arith.constant 0 : index
    %get3A_1 = vector.load %arg0[%get3A, %get3A_0] : memref<10240x128xf32, #tpu.memory_space<vmem>>, vector<2560x128xf32>
    %get3A_2 = arith.constant 0 : index
    %get3A_3 = arith.constant 0 : index
    %get3A_4 = vector.load %arg1[%get3A_2, %get3A_3] : memref<512x128xf32, #tpu.memory_space<vmem>>, vector<128x128xf32>
    %dot_general3A = arith.constant dense<0.000000e+00> : vector<2560x128xf32>
    %dot_general3A_5 = tpu.matmul %get3A_1, %get3A_4, %dot_general3A {dimension_numbers = #tpu.dot_dimension_numbers<[1], [0], [0], [1], [0, 0, 1, 1], [], []>, transpose_lhs_hint = false} : vector<2560x128xf32>, vector<128x128xf32>, vector<2560x128xf32> -> vector<2560x128xf32>
    %get3A_6 = arith.constant 2560 : index
    %get3A_7 = arith.constant 0 : index
    %get3A_8 = vector.load %arg0[%get3A_6, %get3A_7] : memref<10240x128xf32, #tpu.memory_space<vmem>>, vector<2560x128xf32>
    %get3A_9 = arith.constant 128 : index
    %get3A_10 = arith.constant 0 : index
    %get3A_11 = vector.load %arg1[%get3A_9, %get3A_10] : memref<512x128xf32, #tpu.memory_space<vmem>>, vector<128x128xf32>
    %dot_general3A_12 = arith.constant dense<0.000000e+00> : vector<2560x128xf32>
    %dot_general3A_13 = tpu.matmul %get3A_8, %get3A_11, %dot_general3A_12 {dimension_numbers = #tpu.dot_dimension_numbers<[1], [0], [0], [1], [0, 0, 1, 1], [], []>, transpose_lhs_hint = false} : vector<2560x128xf32>, vector<128x128xf32>, vector<2560x128xf32> -> vector<2560x128xf32>
    %add3A = arith.addf %dot_general3A_5, %dot_general3A_13 : vector<2560x128xf32>
    %get3A_14 = arith.constant 5120 : index
    %get3A_15 = arith.constant 0 : index
    %get3A_16 = vector.load %arg0[%get3A_14, %get3A_15] : memref<10240x128xf32, #tpu.memory_space<vmem>>, vector<2560x128xf32>
    %get3A_17 = arith.constant 256 : index
    %get3A_18 = arith.constant 0 : index
    %get3A_19 = vector.load %arg1[%get3A_17, %get3A_18] : memref<512x128xf32, #tpu.memory_space<vmem>>, vector<128x128xf32>
    %dot_general3A_20 = arith.constant dense<0.000000e+00> : vector<2560x128xf32>
    %dot_general3A_21 = tpu.matmul %get3A_16, %get3A_19, %dot_general3A_20 {dimension_numbers = #tpu.dot_dimension_numbers<[1], [0], [0], [1], [0, 0, 1, 1], [], []>, transpose_lhs_hint = false} : vector<2560x128xf32>, vector<128x128xf32>, vector<2560x128xf32> -> vector<2560x128xf32>
    %add3A_22 = arith.addf %add3A, %dot_general3A_21 : vector<2560x128xf32>
    %get3A_23 = arith.constant 7680 : index
    %get3A_24 = arith.constant 0 : index
    %get3A_25 = vector.load %arg0[%get3A_23, %get3A_24] : memref<10240x128xf32, #tpu.memory_space<vmem>>, vector<2560x128xf32>
    %get3A_26 = arith.constant 384 : index
    %get3A_27 = arith.constant 0 : index
    %get3A_28 = vector.load %arg1[%get3A_26, %get3A_27] : memref<512x128xf32, #tpu.memory_space<vmem>>, vector<128x128xf32>
    %dot_general3A_29 = arith.constant dense<0.000000e+00> : vector<2560x128xf32>
    %dot_general3A_30 = tpu.matmul %get3A_25, %get3A_28, %dot_general3A_29 {dimension_numbers = #tpu.dot_dimension_numbers<[1], [0], [0], [1], [0, 0, 1, 1], [], []>, transpose_lhs_hint = false} : vector<2560x128xf32>, vector<128x128xf32>, vector<2560x128xf32> -> vector<2560x128xf32>
    %add3A_31 = arith.addf %add3A_22, %dot_general3A_30 : vector<2560x128xf32>
    %swap3A = arith.constant 0 : index
    %swap3A_32 = arith.constant 0 : index
    %swap3A_33 = vector.load %arg2[%swap3A, %swap3A_32] : memref<2560x128xf32, #tpu.memory_space<vmem>>, vector<2560x128xf32>
    tpu.vector_store %arg2[%swap3A, %swap3A_32], %add3A_31 {strides = array<i32>} : memref<2560x128xf32, #tpu.memory_space<vmem>>, vector<2560x128xf32>,
    return
  }
}

module attributes {stable_mosaic.version = 14 : i64} {
  func.func @_tc_a_body(%arg0: memref<2560x128xf32, #tpu.memory_space<vmem>>, %arg1: memref<2x80x128xf32, #tpu.memory_space<vmem>>, %arg2: memref<2560x128xf32, #tpu.memory_space<vmem>>, %arg3: memref<2560x128xf32, #tpu.memory_space<vmem>>, %arg4: memref<2560x128xf32, #tpu.memory_space<vmem>>, %arg5: memref<80x128xf32, #tpu.memory_space<vmem>>) attributes {dimension_semantics = [], scalar_prefetch = 0 : i64, scratch_operands = 0 : i64, tpu.core_type = #tpu.core_type<tc>} {
    %get3A = arith.constant 0 : index
    %get3A_0 = arith.constant 0 : index
    %get3A_1 = vector.load %arg0[%get3A, %get3A_0] : memref<2560x128xf32, #tpu.memory_space<vmem>>, vector<2560x128xf32>
    %max3A = arith.constant 1.000000e+00 : f32
    %max3A_2 = vector.broadcast %max3A : f32 to vector<2560x128xf32>
    %max3A_3 = arith.maximumf %get3A_1, %max3A_2 : vector<2560x128xf32>
    %rsqrt3A = math.rsqrt %max3A_3 : vector<2560x128xf32>
    %swap3A = arith.constant 0 : index
    %swap3A_4 = arith.constant 0 : index
    %swap3A_5 = vector.load %arg4[%swap3A, %swap3A_4] : memref<2560x128xf32, #tpu.memory_space<vmem>>, vector<2560x128xf32>
    tpu.vector_store %arg4[%swap3A, %swap3A_4], %rsqrt3A {strides = array<i32>} : memref<2560x128xf32, #tpu.memory_space<vmem>>, vector<2560x128xf32>,
    %get3A_6 = arith.constant 0 : index
    %get3A_7 = arith.constant 0 : index
    %get3A_8 = arith.constant 0 : index
    %get3A_9 = vector.load %arg1[%get3A_6, %get3A_7, %get3A_8] : memref<2x80x128xf32, #tpu.memory_space<vmem>>, vector<1x80x128xf32>
    %get3A_10 = vector.shape_cast %get3A_9 : vector<1x80x128xf32> to vector<80x128xf32>
    %get3A_11 = arith.constant 1 : index
    %get3A_12 = arith.constant 0 : index
    %get3A_13 = arith.constant 0 : index
    %get3A_14 = vector.load %arg1[%get3A_11, %get3A_12, %get3A_13] : memref<2x80x128xf32, #tpu.memory_space<vmem>>, vector<1x80x128xf32>
    %get3A_15 = vector.shape_cast %get3A_14 : vector<1x80x128xf32> to vector<80x128xf32>
    %add3A = arith.addf %get3A_10, %get3A_15 : vector<80x128xf32>
    %max3A_16 = arith.constant 1.000000e+00 : f32
    %max3A_17 = vector.broadcast %max3A_16 : f32 to vector<80x128xf32>
    %max3A_18 = arith.maximumf %add3A, %max3A_17 : vector<80x128xf32>
    %rsqrt3A_19 = math.rsqrt %max3A_18 : vector<80x128xf32>
    %swap3A_20 = arith.constant 0 : index
    %swap3A_21 = arith.constant 0 : index
    %swap3A_22 = vector.load %arg5[%swap3A_20, %swap3A_21] : memref<80x128xf32, #tpu.memory_space<vmem>>, vector<80x128xf32>
    tpu.vector_store %arg5[%swap3A_20, %swap3A_21], %rsqrt3A_19 {strides = array<i32>} : memref<80x128xf32, #tpu.memory_space<vmem>>, vector<80x128xf32>,
    %get3A_23 = arith.constant 0 : index
    %get3A_24 = arith.constant 0 : index
    %get3A_25 = vector.load %arg2[%get3A_23, %get3A_24] : memref<2560x128xf32, #tpu.memory_space<vmem>>, vector<2560x128xf32>
    %mul3A = arith.mulf %get3A_25, %rsqrt3A : vector<2560x128xf32>
    %swap3A_26 = arith.constant 0 : index
    %swap3A_27 = arith.constant 0 : index
    %swap3A_28 = vector.load %arg3[%swap3A_26, %swap3A_27] : memref<2560x128xf32, #tpu.memory_space<vmem>>, vector<2560x128xf32>
    tpu.vector_store %arg3[%swap3A_26, %swap3A_27], %mul3A {strides = array<i32>} : memref<2560x128xf32, #tpu.memory_space<vmem>>, vector<2560x128xf32>,
    return
  }
}

module attributes {stable_mosaic.version = 14 : i64} {
  func.func @_tc_b_body(%arg0: memref<2x2560x128xf32, #tpu.memory_space<vmem>>, %arg1: memref<2560x128xf32, #tpu.memory_space<vmem>>, %arg2: memref<1x128xf32, #tpu.memory_space<vmem>>, %arg3: memref<128x128xf32, #tpu.memory_space<vmem>>, %arg4: memref<2560x128xf32, #tpu.memory_space<vmem>>) attributes {dimension_semantics = [], scalar_prefetch = 0 : i64, scratch_operands = 0 : i64, tpu.core_type = #tpu.core_type<tc>} {
    %get3A = arith.constant 0 : index
    %get3A_0 = arith.constant 0 : index
    %get3A_1 = arith.constant 0 : index
    %get3A_2 = vector.load %arg0[%get3A, %get3A_0, %get3A_1] : memref<2x2560x128xf32, #tpu.memory_space<vmem>>, vector<1x2560x128xf32>
    %get3A_3 = vector.shape_cast %get3A_2 : vector<1x2560x128xf32> to vector<2560x128xf32>
    %get3A_4 = arith.constant 1 : index
    %get3A_5 = arith.constant 0 : index
    %get3A_6 = arith.constant 0 : index
    %get3A_7 = vector.load %arg0[%get3A_4, %get3A_5, %get3A_6] : memref<2x2560x128xf32, #tpu.memory_space<vmem>>, vector<1x2560x128xf32>
    %get3A_8 = vector.shape_cast %get3A_7 : vector<1x2560x128xf32> to vector<2560x128xf32>
    %add3A = arith.addf %get3A_3, %get3A_8 : vector<2560x128xf32>
    %get3A_9 = arith.constant 0 : index
    %get3A_10 = arith.constant 0 : index
    %get3A_11 = vector.load %arg1[%get3A_9, %get3A_10] : memref<2560x128xf32, #tpu.memory_space<vmem>>, vector<2560x128xf32>
    %mul3A = arith.mulf %add3A, %get3A_11 : vector<2560x128xf32>
    %get3A_12 = arith.constant 0 : index
    %get3A_13 = arith.constant 0 : index
    %get3A_14 = vector.load %arg2[%get3A_12, %get3A_13] : memref<1x128xf32, #tpu.memory_space<vmem>>, vector<1x128xf32>
    %add3A_15 = vector.broadcast %get3A_14 : vector<1x128xf32> to vector<2560x128xf32>
    %add3A_16 = arith.addf %mul3A, %add3A_15 : vector<2560x128xf32>
    %max3A = arith.constant 0.000000e+00 : f32
    %max3A_17 = vector.broadcast %max3A : f32 to vector<2560x128xf32>
    %max3A_18 = arith.maximumf %add3A_16, %max3A_17 : vector<2560x128xf32>
    %get3A_19 = arith.constant 0 : index
    %get3A_20 = arith.constant 0 : index
    %get3A_21 = vector.load %arg3[%get3A_19, %get3A_20] : memref<128x128xf32, #tpu.memory_space<vmem>>, vector<128x128xf32>
    %dot_general3A = arith.constant dense<0.000000e+00> : vector<2560x128xf32>
    %dot_general3A_22 = tpu.matmul %max3A_18, %get3A_21, %dot_general3A {dimension_numbers = #tpu.dot_dimension_numbers<[1], [0], [0], [1], [0, 0, 1, 1], [], []>, transpose_lhs_hint = false} : vector<2560x128xf32>, vector<128x128xf32>, vector<2560x128xf32> -> vector<2560x128xf32>
    %get3A_23 = arith.constant 0 : index
    %get3A_24 = arith.constant 0 : index
    %get3A_25 = vector.load %arg1[%get3A_23, %get3A_24] : memref<2560x128xf32, #tpu.memory_space<vmem>>, vector<2560x128xf32>
    %mul3A_26 = arith.mulf %dot_general3A_22, %get3A_25 : vector<2560x128xf32>
    %swap3A = arith.constant 0 : index
    %swap3A_27 = arith.constant 0 : index
    %swap3A_28 = vector.load %arg4[%swap3A, %swap3A_27] : memref<2560x128xf32, #tpu.memory_space<vmem>>, vector<2560x128xf32>
    tpu.vector_store %arg4[%swap3A, %swap3A_27], %mul3A_26 {strides = array<i32>} : memref<2560x128xf32, #tpu.memory_space<vmem>>, vector<2560x128xf32>,
    return
  }
}

module attributes {stable_mosaic.version = 14 : i64} {
  func.func @_tc_c_body(%arg0: memref<2x80x128xf32, #tpu.memory_space<vmem>>, %arg1: memref<80x128xf32, #tpu.memory_space<vmem>>, %arg2: memref<1x1xf32, #tpu.memory_space<vmem>>, %arg3: memref<80x128xf32, #tpu.memory_space<vmem>>) attributes {dimension_semantics = [], scalar_prefetch = 0 : i64, scratch_operands = 0 : i64, tpu.core_type = #tpu.core_type<tc>} {
    %get3A = arith.constant 0 : index
    %get3A_0 = arith.constant 0 : index
    %get3A_1 = arith.constant 0 : index
    %get3A_2 = vector.load %arg0[%get3A, %get3A_0, %get3A_1] : memref<2x80x128xf32, #tpu.memory_space<vmem>>, vector<1x80x128xf32>
    %get3A_3 = vector.shape_cast %get3A_2 : vector<1x80x128xf32> to vector<80x128xf32>
    %get3A_4 = arith.constant 1 : index
    %get3A_5 = arith.constant 0 : index
    %get3A_6 = arith.constant 0 : index
    %get3A_7 = vector.load %arg0[%get3A_4, %get3A_5, %get3A_6] : memref<2x80x128xf32, #tpu.memory_space<vmem>>, vector<1x80x128xf32>
    %get3A_8 = vector.shape_cast %get3A_7 : vector<1x80x128xf32> to vector<80x128xf32>
    %add3A = arith.addf %get3A_3, %get3A_8 : vector<80x128xf32>
    %get3A_9 = arith.constant 0 : index
    %get3A_10 = arith.constant 0 : index
    %get3A_11 = vector.load %arg1[%get3A_9, %get3A_10] : memref<80x128xf32, #tpu.memory_space<vmem>>, vector<80x128xf32>
    %mul3A = arith.mulf %add3A, %get3A_11 : vector<80x128xf32>
    %get3A_12 = arith.constant 0 : index
    %get3A_13 = arith.constant 0 : index
    %get3A_14 = vector.load %arg2[%get3A_12, %get3A_13] : memref<1x1xf32, #tpu.memory_space<vmem>>, vector<1x1xf32>
    %add3A_15 = vector.broadcast %get3A_14 : vector<1x1xf32> to vector<80x128xf32>
    %add3A_16 = arith.addf %mul3A, %add3A_15 : vector<80x128xf32>
    %swap3A = arith.constant 0 : index
    %swap3A_17 = arith.constant 0 : index
    %swap3A_18 = vector.load %arg3[%swap3A, %swap3A_17] : memref<80x128xf32, #tpu.memory_space<vmem>>, vector<80x128xf32>
    tpu.vector_store %arg3[%swap3A, %swap3A_17], %add3A_16 {strides = array<i32>} : memref<80x128xf32, #tpu.memory_space<vmem>>, vector<80x128xf32>,
    return
  }
}

</mosaic_0001>

<sc_bundles>
// kernel: kernel.12.cloned.1.call-start
scs
__scs_entry_jumppad:
0x0: {  	(pc) =	sbr.rel $0x88, $3  }
0x1: {  	(tag) =	ssettag $0x0;
	lr =	simm.s32 $0x1  }
0x2: {  	[smem:$0x3F9B] =	sst lr;
	_ =	strace $0xD0000000  }
0x3: {  	_ = 	snop  }
0x4: {  	_ = 	snop  }
0x5: {  	_ = 	snop  }
0x6: {  	_ = 	snop  }
0x7: {  	_ = 	snop  }
__scs_overlays_trampoline_lowered:
0x8: {  	[smem:$0x3FAA] =	sst s0  }
0x9: {  	[smem:$0x3FAB] =	sst s1  }
0xa: {  	[smem:$0x3FAC] =	sst s2  }
0xb: {  	[smem:$0x3FAD] =	sst s3  }
0xc: {  	[smem:$0x3FAE] =	sst s4  }
0xd: {  	[smem:$0x3FAF] =	sst s5  }
0xe: {  	[smem:$0x3FB0] =	sst s6  }
0xf: {  	[smem:$0x3FB1] =	sst s7  }
0x10: {  	[smem:$0x3FB2] =	sst s8  }
0x11: {  	[smem:$0x3FB3] =	sst s9;
	s0 =	simm.s32 @!p0 $0x0  }
0x12: {  	s1 =	sld [smem:$0x3F99];
	s0 =	simm.s32 @p0 $0x1  }
0x13: {  	[smem:$0x3FB4] =	sst s0;
	s0 =	simm.s32 @!p1 $0x0  }
0x14: {  	s2 =	sld [smem:$0x3F98];
	s0 =	simm.s32 @p1 $0x1  }
0x15: {  	[smem:$0x3FB5] =	sst s0;
	s0 =	simm.s32 @!p2 $0x0  }
0x16: {  	s3 =	sld [smem:$0x3FDB];
	s0 =	simm.s32 @p2 $0x1  }
0x17: {  	s4 =	simm.s32 $0x1BF5;
	[smem:$0x3FB7] =	sst s0  }
0x18: {  	s0 =	sld [smem:$0x3F9A];
	_ =	swait.ge [sflag:s4], $0x0  }
0x19: {  	s7 =	sld [smem:$0x3F9B]  }
0x1a: {  	s8 =	sadd.s32 $0xFFFFE003, lr  }
0x1b: {  	s9 =	sadd.s32 $0xFFFFFEF7, lr;
	s5 =	simm.s32 $0xFFFFFFFF;
	p2 =	slt.u32 s8, $0xFFFFF086  }
0x1c: {  	p1 =	slt.u32 s9, $0xF7A;
	s5 =	simm.s32 @!p2 $0x0  }
0x1d: {  	s5 =	simm.s32 @p1 $0x1;
	p0 =	seq.s32 s7, s2  }
0x1e: {  	s7 =	smul.u32 @!p0 $0xF7A, s2;
	p2 =	seq.s32 @!p0 s5, $0x0  }
0x1f: {  	s9 =	smul.u32 $0xF7A, s1;
	s8 =	simm.s32 @!p0 $0x1BF5;
	p2 =	por !p2, p0  }
0x20: {  	[sflag:s8] =	ssyncset.s32 @!p0 $0xFFFFF086;
	s6 =	sadd.s32 @!p0 s3, s7;
	s7 =	simm.s32 @!p0 $0x108  }
0x21: {  	s3 =	sadd.s32 s3, s9;
	s6 =	sadd.s32 @!p0 $0x88, s6;
	s7 =	simm.s32 @p2 $0x1082  }
0x22: {  	[simem:s7], [sflag:s8] =	dma.local @!p0 [hbm:s6], $0xF7A  }
0x23: {  	s9 =	sor.u32 $0xD0000000, s2;
	s6 =	simm.s32 $0x108;
	_ =	swait.ge @!p0 [sflag:s8], $0x0  }
0x24: {  	s3 =	sadd.s32 $0x88, s3;
	s6 =	simm.s32 @!p1 $0x1082;
	[sflag:s4] =	ssyncset.s32 $0xFFFFF086  }
0x25: {  	[simem:s6], [sflag:s4] =	dma.local [hbm:s3], $0xF7A  }
0x26: {  	[smem:$0x3F9B] =	sst s1;
	(tag) =	ssettag s2;
	_ =	strace s9  }
0x27: {  	s1 =	sld [smem:$0x3FAB]  }
0x28: {  	s2 =	sld [smem:$0x3FAC]  }
0x29: {  	s4 =	sld [smem:$0x3FAE]  }
0x2a: {  	p0 =	seq.s32 s5, $0x0;
	s5 =	sld [smem:$0x3FAF]  }
0x2b: {  	s6 =	sld [smem:$0x3FB0]  }
0x2c: {  	s7 =	sld [smem:$0x3FB1]  }
0x2d: {  	s3 =	simm.s32 $0x108;
	s8 =	sld [smem:$0x3FB2]  }
0x2e: {  	s3 =	simm.s32 @!p0 $0x1082;
	s9 =	sld [smem:$0x3FB3]  }
0x2f: {  	lr =	sadd.s32 s0, s3;
	s0 =	sld [smem:$0x3FAA]  }
0x30: {  	s3 =	sld [smem:$0x3FAD]  }
0x31: {  	[smem:$0x3FB6] =	sst s10  }
0x32: {  	s10 =	sld [smem:$0x3FB4];
	_ =	sdelay $0x3  }
0x33: {  	p0 =	seq.s32 s10, $0x1;
	s10 =	sld [smem:$0x3FB6];
	_ =	sdelay $0x3  }
0x34: {  	[smem:$0x3FB6] =	sst s10  }
0x35: {  	s10 =	sld [smem:$0x3FB5];
	_ =	sdelay $0x3  }
0x36: {  	p1 =	seq.s32 s10, $0x1;
	s10 =	sld [smem:$0x3FB6];
	_ =	sdelay $0x3  }
0x37: {  	[smem:$0x3FB6] =	sst s10  }
0x38: {  	s10 =	sld [smem:$0x3FB7]  }
0x39: {  	_ = 	snop;
	(pc) =	sbr.ind lr, $3  }
0x3a: {  	_ = 	snop  }
0x3b: {  	_ = 	snop  }
0x3c: {  	p2 =	seq.s32 s10, $0x1;
	s10 =	sld [smem:$0x3FB6]  }
0x3d: {  	_ =	shalt  }
0x3e: {  	_ =	shalt  }
0x3f: {  	_ =	shalt  }
0x40: {  	_ =	shalt  }
0x41: {  	_ =	shalt  }
0x42: {  	_ =	shalt  }
0x43: {  	_ =	shalt  }
0x44: {  	_ =	shalt  }
0x45: {  	_ =	shalt  }
0x46: {  	_ =	shalt  }
0x47: {  	_ =	shalt  }
0x48: {  	_ =	shalt  }
0x49: {  	_ =	shalt  }
0x4a: {  	_ =	shalt  }
0x4b: {  	_ =	shalt  }
0x4c: {  	_ =	shalt  }
0x4d: {  	_ =	shalt  }
0x4e: {  	_ =	shalt  }
0x4f: {  	_ =	shalt  }
0x50: {  	_ =	shalt  }
0x51: {  	_ =	shalt  }
0x52: {  	_ =	shalt  }
0x53: {  	_ =	shalt  }
0x54: {  	_ =	shalt  }
0x55: {  	_ =	shalt  }
0x56: {  	_ =	shalt  }
0x57: {  	_ =	shalt  }
0x58: {  	_ =	shalt  }
0x59: {  	_ =	shalt  }
0x5a: {  	_ =	shalt  }
0x5b: {  	_ =	shalt  }
0x5c: {  	_ =	shalt  }
0x5d: {  	_ =	shalt  }
0x5e: {  	_ =	shalt  }
0x5f: {  	_ =	shalt  }
0x60: {  	_ =	shalt  }
0x61: {  	_ =	shalt  }
0x62: {  	_ =	shalt  }
0x63: {  	_ =	shalt  }
0x64: {  	_ =	shalt  }
0x65: {  	_ =	shalt  }
0x66: {  	_ =	shalt  }
0x67: {  	_ =	shalt  }
0x68: {  	_ =	shalt  }
0x69: {  	_ =	shalt  }
0x6a: {  	_ =	shalt  }
0x6b: {  	_ =	shalt  }
0x6c: {  	_ =	shalt  }
0x6d: {  	_ =	shalt  }
0x6e: {  	_ =	shalt  }
0x6f: {  	_ =	shalt  }
0x70: {  	_ =	shalt  }
0x71: {  	_ =	shalt  }
0x72: {  	_ =	shalt  }
0x73: {  	_ =	shalt  }
0x74: {  	_ =	shalt  }
0x75: {  	_ =	shalt  }
0x76: {  	_ =	shalt  }
0x77: {  	_ =	shalt  }
0x78: {  	_ =	shalt  }
0x79: {  	_ =	shalt  }
0x7a: {  	_ =	shalt  }
0x7b: {  	_ =	shalt  }
0x7c: {  	_ =	shalt  }
0x7d: {  	_ =	shalt  }
0x7e: {  	_ =	shalt  }
0x7f: {  	_ =	shalt  }
0x80: {  	_ =	shalt  }
0x81: {  	_ =	shalt  }
0x82: {  	_ =	shalt  }
0x83: {  	_ =	shalt  }
0x84: {  	_ =	shalt  }
0x85: {  	_ =	shalt  }
0x86: {  	_ =	shalt  }
0x87: {  	_ =	shalt  }
.Lfunc_end0:
.L_simem_size_0:
called_computation.1_lowered:
.L_overlay_start_0:
0x88: {  	s2 =	sld [smem:$0x3FD9]  }
0x89: {  	s3 =	sld [smem:$0x3FFE];
	_ =	sdelay $0x1  }
0x8a: {  	s1 =	srdreg.scid  }
0x8b: {  	s0 =	sand.u32 $0x1, s1  }
0x8c: {  	s16 =	sshll.u32 s0, $0xA;
	s2 =	sadd.s32 s3, s2  }
0x8d: {  	s2 =	sadd.s32 s2, s16  }
0x8e: {  	[smem:$0x3FC2] =	sst s2  }
0x8f: {  	_ = 	snop  }
0x90: {  	(tm) =	ssettm $0x1  }
0x91: {  	s17 =	sld [smem:$0x3FFB];
	_ =	sdelay $0x3  }
0x92: {  	_ =	strace s17  }
0x93: {  	s2 =	sld [smem:$0x3FFC];
	_ =	sdelay $0x3  }
0x94: {  	_ =	strace s2  }
0x95: {  	s2 =	sld [smem:$0x3FFD];
	_ =	sdelay $0x3  }
0x96: {  	_ =	strace s2  }
0x97: {  	_ =	strace $0x8FFFFFFF  }
0x98: {  	s18 =	sld [smem:$0x3FDB];
	_ =	sdelay $0x1  }
0x99: {  	s19 =	simm.s32 $_scs_section_size  }
0x9a: {  	s4 =	simm.s32 $_size__tile_overlayer_lowered;
	s5 =	simm.s32 $_tile_overlayer_lowered  }
0x9b: {  	s22 =	simm.s32 $0x1BFF;
	s21 =	sshll.u32 s5, $0x1;
	s2 =	sadd.s32 s19, s18  }
0x9c: {  	s6 =	simm.s32 $0x0;
	s20 =	sshll.u32 s4, $0x1;
	s4 =	sadd.s32 s21, s2  }
0x9d: {  	[timem:s6], [sflag:s22] =	dma.local [hbm:s4], s20  }
0x9e: {  	_ =	swait.ge [sflag:s22], s20  }
0x9f: {  	s3 =	ssub.s32 $0x0, s20;
	[sflag:s22] =	ssyncset.done $0x0  }
0xa0: {  	[sflag:s22] =	ssyncadd.s32 s3;
	_ =	sdelay $0x1  }
0xa1: {  	s23 =	simm.s32 $0x1B8B  }
0xa2: {  	_ =	swait.ge [sflag:s23], $0x1  }
0xa3: {  	[sflag:s23] =	ssyncset.done $0x0  }
0xa4: {  	s25 =	simm.s32 $0x1B8E;
	s24 =	sld [smem:$0x3FFE];
	[sflag:s23] =	ssyncadd.s32 $0xFFFFFFFF  }
0xa5: {  	s26 =	simm.s32 $execute0_lowered;
	[smem:$0x3FD2] =	sst s25  }
0xa6: {  	s4 =	sshll.u32 s26, $0x1;
	_ =	strace $0x80000049;
	[dreg:$0x1] =	wrdreg $0xFFFFFFFF  }
0xa7: {  	s28 =	simm.s32 $_size_execute0_lowered;
	s2 =	sadd.s32 s2, s4;
	[dreg:$0x0] =	wrdreg $0x0  }
0xa8: {  	s4 =	sshll.u32 s28, $0x1;
	[dreg:$0x2] =	wrdreg s2  }
0xa9: {  	[dreg:$0x3] =	wrdreg s4  }
0xaa: {  	[dreg:$0x4] =	wrdreg $0xC0  }
0xab: {  	_ =	task [dreg:s6], $0x5FFFF  }
0xac: {  	[dreg:$0x1] =	wrdreg $0xFFFFFFFF  }
0xad: {  	[dreg:$0x0] =	wrdreg $0x60  }
0xae: {  	[dreg:$0x2] =	wrdreg s24  }
0xaf: {  	[dreg:$0x3] =	wrdreg $0x81000  }
0xb0: {  	[dreg:$0x4] =	wrdreg $0xD1000  }
0xb1: {  	[dreg:$0x5] =	wrdreg $0x9  }
0xb2: {  	_ =	task.clear_ibuf [dreg:s6], $0x6FFFF;
	_ =	strace $0x90000049  }
0xb3: {  	s29 =	simm.s32 $0x9;
	_ =	strace $0x8000004B  }
0xb4: {  	_ =	swait.ge [sflag:s29], $0x1  }
0xb5: {  	[sflag:s29] =	ssyncadd.s32 $0xFFFFFFFF  }
0xb6: {  	_ =	strace $0x9000004B  }
0xb7: {  	_ =	sfence  }
0xb8: {  	s30 =	sld [smem:$0x0];
	_ =	sdelay $0x2  }
0xb9: {  	s31 =	sshll.u32 s1, $0xD;
	s1 =	sshrl.u32 s1, $0x2  }
0xba: {  	s3 =	sand.u32 $0x4000, s31;
	s1 =	sadd.s32 s1, s30  }
0xbb: {  	s0 =	sor.u32 s3, s0;
	s1 =	sshll.u32 s1, $0x11  }
0xbc: {  	s0 =	sor.u32 s1, s0  }
0xbd: {  	s0 =	sadd.s32 $0x8F2B, s0  }
0xbe: {  	[sflag:s0] =	ssyncadd.remote.s32 $0x1  }
0xbf: {  	_ =	sfence.sel $0xFFFF  }
0xc0: {  	[dreg:$0x0] =	wrdreg $0xFFFFFFFF;
	(pc) =	sbr.abs _section_cstart, $3  }
0xc1: {  	[dreg:$0x1] =	wrdreg $0xFFFFFFFF  }
0xc2: {  	_ =	task.clear_ibuf [dreg:s6], $0x2FFFF;
	_ =	strace $0x9FFFFFFF  }
0xc3: {  	(tm) =	ssettm $0x7FFFFFFF  }
tec
execute0_lowered:
.L_overlay_start_1:
0x0: {  	(tag) =	ssettag $0x1  }
0x1: {  	s5 =	rddreg [dreg:$0x0]  }
0x2: {  	s2 =	rddreg [dreg:$0x1]  }
0x3: {  	s0 =	srdreg.scid;
	s3 =	rddreg [dreg:$0x2]  }
0x4: {  	s4 =	simm.s32 $0x0;
	s15 =	simm.s32 $0x80;
	s16 =	simm.s32 $0x5100  }
0x5: {  	s17 =	simm.s32 $0x6100;
	s18 =	simm.s32 $0x100;
	s19 =	simm.s32 $0x7100  }
0x6: {  	s20 =	simm.s32 $0x1;
	s21 =	simm.s32 $0x2;
	s22 =	simm.s32 $0x3  }
0x7: {  	s23 =	simm.s32 $0x4F80;
	s6 =	sand.u32 $0x1, s0;
	s0 =	stileid.u32  }
0x8: {  	s26 =	simm.s32 $0x5080;
	s28 =	simm.s32 $0x0;
	s8 =	smul.u32 $0x5000, s0  }
0x9: {  	[smem:$0x7FF] =	sst s4;
	s1 =	sshll.u32 s6, $0x4;
	s9 =	smul.u32 $0xA000, s6  }
0xa: {  	s6 =	ssub.s32 $0x2, s6;
	s12 =	sshll.u32 s0, $0x6;
	s7 =	sor.u32 s0, s1  }
0xb: {  	s1 =	rddreg [dreg:$0x3];
	_ =	strace $0x8000004A;
	s10 =	sshrl.u32 s6, $0x1  }
0xc: {  	s12 =	sor.u32 $0x1C04, s12;
	s7 =	smul.u32 $0x510, s7;
	s24 =	sshrl.u32 s8, $0x3  }
0xd: {  	s9 =	sadd.s32 s9, s5;
	s10 =	ssub.s32 s6, s10;
	s13 =	sadd.s32 s8, s2  }
0xe: {  	s14 =	sadd.s32 s8, s3;
	s11 =	sadd.s32 s24, s5;
	s25 =	sadd.s32 $0x29600, s9  }
0xf: {  	s9 =	smax.u32 s10, $0x1;
	s10 =	simm.s32 $0x4;
	s13 =	sshrl.u32 s13, $0x3  }
0x10: {  	s14 =	sshrl.u32 s14, $0x3;
	s7 =	sadd.s32 s7, s5;
	s8 =	sadd.s32 $0x1F600, s11  }
0x11: {  	s24 =	sadd.s32 s24, s25;
	s25 =	simm.s32 $0x5000;
	s5 =	sadd.s32 $0xB400, s7  }
0x12: {  	s6 =	sadd.s32 $0x1200, s7;
	s7 =	sadd.s32 $0x15600, s11;
	s11 =	simm.s32 $0x2880  }
.LBB2_1:
0x13: {  	[tilespmem:s4], [sflag:$0x4] =	stream.linear.gather [hbm4b:s5+s4], $0x2880, $0x38;
	[tilespmem:$0x12100] =	vst v63  }
0x14: {  	_ =	swait.ge [sflag:s10], $0x2880  }
0x15: {  	[sflag:s10] =	ssyncset.done $0x0  }
0x16: {  	[sflag:s10] =	ssyncadd.s32 $0xFFFFD780  }
0x17: {  	[tilespmem:s11], [sflag:$0x4] =	stream.linear.gather [hbm4b:s6+s4], $0x2880, $0x38;
	[tilespmem:$0x12100] =	vst v63  }
0x18: {  	_ =	swait.ge [sflag:s10], $0x2880  }
0x19: {  	[sflag:s10] =	ssyncset.done $0x0  }
0x1a: {  	[sflag:s10] =	ssyncadd.s32 $0xFFFFD780  }
0x1b: {  	[spmem:s13], [sflag:s12] =	dma.local [hbm:s7], $0xA00  }
0x1c: {  	_ =	swait.ge [sflag:s10], $0xA00  }
0x1d: {  	[sflag:s10] =	ssyncset.done $0x0  }
0x1e: {  	[sflag:s10] =	ssyncadd.s32 $0xFFFFF600  }
0x1f: {  	[spmem:s14], [sflag:s12] =	dma.local [hbm:s8], $0xA00  }
0x20: {  	_ =	swait.ge [sflag:s10], $0xA00  }
0x21: {  	[sflag:s10] =	ssyncset.done $0x0  }
0x22: {  	[sflag:s10] =	ssyncadd.s32 $0xFFFFF600  }
0x23: {  	[bflag:$0x0] =	sbarrier.arrive $0xFFFF  }
0x24: {  	[tilespmem:s16], [sflag:$0x1] =	stream.indirect.gather [spmem:s2], $0x20, s4, s15, $0xb8;
	[tilespmem:$0x12100] =	vst v63  }
0x25: {  	_ = 	snop  }
0x26: {  	[tilespmem:s17], [sflag:$0x2] =	stream.indirect.gather [spmem:s2], $0x20, s15, s15, $0xb8;
	[tilespmem:$0x12100] =	vst v63  }
0x27: {  	_ = 	snop  }
0x28: {  	[tilespmem:s19], [sflag:$0x3] =	stream.indirect.gather [spmem:s2], $0x20, s18, s15, $0xb8;
	[tilespmem:$0x12100] =	vst v63  }
0x29: {  	_ =	swait.ge [sflag:s20], $0x1000  }
0x2a: {  	[sflag:s20] =	ssyncset.done $0x0  }
0x2b: {  	s29 =	simm.s32 $0x2880;
	[sflag:s20] =	ssyncadd.s32 $0xFFFFF000  }
0x2c: {  	[spmem:s3] =	stream.indirect.scatter.add.f32 [tilespmem:s16], [sflag:$0x4], $0x20, s29, s15, $0xb8;
	[tilespmem:$0x12100] =	vst v63  }
0x2d: {  	_ =	swait.ge [sflag:s10], $0x1000  }
0x2e: {  	[sflag:s10] =	ssyncset.done $0x0  }
0x2f: {  	s29 =	simm.s32 $0x180;
	[sflag:s10] =	ssyncadd.s32 $0xFFFFF000  }
0x30: {  	[tilespmem:s16], [sflag:$0x1] =	stream.indirect.gather [spmem:s2], $0x20, s29, s15, $0xb8;
	[tilespmem:$0x12100] =	vst v63  }
0x31: {  	_ =	swait.ge [sflag:s21], $0x1000  }
0x32: {  	[sflag:s21] =	ssyncset.done $0x0  }
0x33: {  	s29 =	simm.s32 $0x2900;
	[sflag:s21] =	ssyncadd.s32 $0xFFFFF000  }
0x34: {  	[spmem:s3] =	stream.indirect.scatter.add.f32 [tilespmem:s17], [sflag:$0x4], $0x20, s29, s15, $0xb8;
	[tilespmem:$0x12100] =	vst v63  }
0x35: {  	_ =	swait.ge [sflag:s10], $0x1000  }
0x36: {  	[sflag:s10] =	ssyncset.done $0x0  }
0x37: {  	s29 =	simm.s32 $0x200;
	[sflag:s10] =	ssyncadd.s32 $0xFFFFF000  }
0x38: {  	[tilespmem:s17], [sflag:$0x2] =	stream.indirect.gather [spmem:s2], $0x20, s29, s15, $0xb8;
	[tilespmem:$0x12100] =	vst v63  }
0x39: {  	_ =	swait.ge [sflag:s22], $0x1000  }
0x3a: {  	[sflag:s22] =	ssyncset.done $0x0  }
0x3b: {  	s29 =	simm.s32 $0x2980;
	[sflag:s22] =	ssyncadd.s32 $0xFFFFF000  }
0x3c: {  	[spmem:s3] =	stream.indirect.scatter.add.f32 [tilespmem:s19], [sflag:$0x4], $0x20, s29, s15, $0xb8;
	[tilespmem:$0x12100] =	vst v63  }
0x3d: {  	_ =	swait.ge [sflag:s10], $0x1000  }
0x3e: {  	[sflag:s10] =	ssyncset.done $0x0  }
0x3f: {  	s30 =	simm.s32 $0x280;
	s29 =	simm.s32 $0x600;
	[sflag:s10] =	ssyncadd.s32 $0xFFFFF000  }
.LBB2_2:
0x40: {  	[tilespmem:s19], [sflag:$0x3] =	stream.indirect.gather [spmem:s2], $0x20, s30, s15, $0xb8;
	[tilespmem:$0x12100] =	vst v63  }
0x41: {  	s30 =	smov.u32 s29  }
0x42: {  	p0 =	sne.s32 s29, $0x9600;
	s29 =	sadd.s32 $0x600, s29;
	_ =	swait.ge [sflag:s20], $0x1000  }
0x43: {  	s30 =	sshra.s32 s30, $0x2;
	[sflag:s20] =	ssyncset.done $0x0  }
0x44: {  	s31 =	sadd.s32 $0x2880, s30;
	[sflag:s20] =	ssyncadd.s32 $0xFFFFF000  }
0x45: {  	[spmem:s3] =	stream.indirect.scatter.add.f32 [tilespmem:s16], [sflag:$0x4], $0x20, s31, s15, $0xb8;
	[tilespmem:$0x12100] =	vst v63  }
0x46: {  	_ =	swait.ge [sflag:s10], $0x1000  }
0x47: {  	[sflag:s10] =	ssyncset.done $0x0  }
0x48: {  	s31 =	sadd.s32 $0x180, s30;
	[sflag:s10] =	ssyncadd.s32 $0xFFFFF000  }
0x49: {  	[tilespmem:s16], [sflag:$0x1] =	stream.indirect.gather [spmem:s2], $0x20, s31, s15, $0xb8;
	[tilespmem:$0x12100] =	vst v63  }
0x4a: {  	_ =	swait.ge [sflag:s21], $0x1000  }
0x4b: {  	[sflag:s21] =	ssyncset.done $0x0  }
0x4c: {  	s31 =	sadd.s32 $0x2900, s30;
	[sflag:s21] =	ssyncadd.s32 $0xFFFFF000  }
0x4d: {  	[spmem:s3] =	stream.indirect.scatter.add.f32 [tilespmem:s17], [sflag:$0x4], $0x20, s31, s15, $0xb8;
	[tilespmem:$0x12100] =	vst v63  }
0x4e: {  	_ =	swait.ge [sflag:s10], $0x1000  }
0x4f: {  	[sflag:s10] =	ssyncset.done $0x0  }
0x50: {  	s31 =	sadd.s32 $0x200, s30;
	[sflag:s10] =	ssyncadd.s32 $0xFFFFF000  }
0x51: {  	[tilespmem:s17], [sflag:$0x2] =	stream.indirect.gather [spmem:s2], $0x20, s31, s15, $0xb8;
	[tilespmem:$0x12100] =	vst v63  }
0x52: {  	_ =	swait.ge [sflag:s22], $0x1000  }
0x53: {  	[sflag:s22] =	ssyncset.done $0x0  }
.Ltmp0:
0x54: {  	s31 =	sadd.s32 $0x2980, s30;
	[sflag:s22] =	ssyncadd.s32 $0xFFFFF000;
	(pc) =	sbr.rel @p0 .LBB2_2-.Ltmp0, $4  }
0x55: {  	[spmem:s3] =	stream.indirect.scatter.add.f32 [tilespmem:s19], [sflag:$0x4], $0x20, s31, s15, $0xb8;
	[tilespmem:$0x12100] =	vst v63  }
0x56: {  	_ =	swait.ge [sflag:s10], $0x1000  }
0x57: {  	[sflag:s10] =	ssyncset.done $0x0  }
0x58: {  	s30 =	sadd.s32 $0x280, s30;
	[sflag:s10] =	ssyncadd.s32 $0xFFFFF000  }
0x59: {  	[tilespmem:s19], [sflag:$0x3] =	stream.indirect.gather [spmem:s2], $0x20, s30, s15, $0xb8;
	[tilespmem:$0x12100] =	vst v63  }
0x5a: {  	_ =	swait.ge [sflag:s20], $0x1000  }
0x5b: {  	[sflag:s20] =	ssyncset.done $0x0  }
0x5c: {  	[sflag:s20] =	ssyncadd.s32 $0xFFFFF000  }
0x5d: {  	[spmem:s3] =	stream.indirect.scatter.add.f32 [tilespmem:s16], [sflag:$0x4], $0x20, s23, s15, $0xb8;
	[tilespmem:$0x12100] =	vst v63  }
0x5e: {  	_ =	swait.ge [sflag:s10], $0x1000  }
0x5f: {  	[sflag:s10] =	ssyncset.done $0x0  }
0x60: {  	[sflag:s10] =	ssyncadd.s32 $0xFFFFF000  }
0x61: {  	_ =	swait.ge [sflag:s21], $0x1000  }
0x62: {  	[sflag:s21] =	ssyncset.done $0x0  }
0x63: {  	[sflag:s21] =	ssyncadd.s32 $0xFFFFF000  }
0x64: {  	[spmem:s3] =	stream.indirect.scatter.add.f32 [tilespmem:s17], [sflag:$0x4], $0x20, s25, s15, $0xb8;
	[tilespmem:$0x12100] =	vst v63  }
0x65: {  	_ =	swait.ge [sflag:s10], $0x1000  }
0x66: {  	[sflag:s10] =	ssyncset.done $0x0  }
0x67: {  	[sflag:s10] =	ssyncadd.s32 $0xFFFFF000  }
0x68: {  	_ =	swait.ge [sflag:s22], $0x1000  }
0x69: {  	[sflag:s22] =	ssyncset.done $0x0  }
0x6a: {  	[sflag:s22] =	ssyncadd.s32 $0xFFFFF000  }
0x6b: {  	[spmem:s3] =	stream.indirect.scatter.add.f32 [tilespmem:s19], [sflag:$0x4], $0x20, s26, s15, $0xb8;
	[tilespmem:$0x12100] =	vst v63  }
0x6c: {  	_ =	swait.ge [sflag:s10], $0x1000  }
0x6d: {  	s28 =	sadd.s32 $0x1, s28;
	[sflag:s10] =	ssyncset.done $0x0  }
0x6e: {  	p0 =	sne.s32 s28, s9;
	[sflag:s10] =	ssyncadd.s32 $0xFFFFF000  }
.Ltmp1:
0x6f: {  	[bflag:$0x0] =	sbarrier.arrive $0xFFFF;
	(pc) =	sbr.rel @p0 .LBB2_1-.Ltmp1, $4  }
0x70: {  	[hbm:s24], [sflag:s12] =	dma.local [spmem:s14], $0xA00  }
0x71: {  	_ =	swait.ge [sflag:s10], $0xA00  }
0x72: {  	[sflag:s10] =	ssyncset.done $0x0  }
0x73: {  	[sflag:s10] =	ssyncadd.s32 $0xFFFFF600  }
0x74: {  	_ =	sfence.sel $0x180000  }
0x75: {  	[bflag:$0x0] =	sbarrier.arrive $0xFFFF  }
0x76: {  	p0 =	sne.s32 s0, $0x0;
	_ =	strace $0x9000004A  }
0x77: {  	s0 =	sadd.s32 @!p0 $0x100000, s1;
	[bflag:$0x2] =	sbarrier.arrive $0xFFFF  }
0x78: {  	[sflag:s0] =	ssyncadd.tile.s32 @!p0 $0x1;
	_ =	shalt  }
.Lfunc_end2:
_tile_overlayer_lowered:
.L_overlay_start_2:
0x79: {  	(tag) =	ssettag $0x2  }
0x7a: {  	s0 =	rddreg [dreg:$0x0];
	s2 =	stileid.u32  }
0x7b: {  	s1 =	rddreg [dreg:$0x1];
	p0 =	sne.s32 s2, $0x0  }
0x7c: {  	s3 =	rddreg [dreg:$0x2];
	[bflag:$0x3] =	sbarrier.arrive $0xFFFF;
	s2 =	simm.s32 @!p0 $0x1C04  }
0x7d: {  	[timem:s3], [sflag:s2] =	dma.local @!p0 [hbm:s0], s1  }
0x7e: {  	s0 =	simm.s32 @!p0 $0x4  }
0x7f: {  	_ =	swait.ge @!p0 [sflag:s0], s1  }
0x80: {  	s1 =	ssub.s32 @!p0 $0x0, s1;
	[sflag:s0] =	ssyncset.done @!p0 $0x0  }
0x81: {  	[sflag:s0] =	ssyncadd.s32 @!p0 s1  }
0x82: {  	[bflag:$0x3] =	sbarrier.arrive $0xFFFF  }
0x83: {  	_ =	shalt  }

// kernel: kernel.15.cloned.1.call-start
scs
__scs_entry_jumppad:
0x0: {  	(pc) =	sbr.rel $0x88, $3  }
0x1: {  	(tag) =	ssettag $0x0;
	lr =	simm.s32 $0x1  }
0x2: {  	[smem:$0x3F9B] =	sst lr;
	_ =	strace $0xD0000000  }
0x3: {  	_ = 	snop  }
0x4: {  	_ = 	snop  }
0x5: {  	_ = 	snop  }
0x6: {  	_ = 	snop  }
0x7: {  	_ = 	snop  }
__scs_overlays_trampoline_lowered:
0x8: {  	[smem:$0x3FAA] =	sst s0  }
0x9: {  	[smem:$0x3FAB] =	sst s1  }
0xa: {  	[smem:$0x3FAC] =	sst s2  }
0xb: {  	[smem:$0x3FAD] =	sst s3  }
0xc: {  	[smem:$0x3FAE] =	sst s4  }
0xd: {  	[smem:$0x3FAF] =	sst s5  }
0xe: {  	[smem:$0x3FB0] =	sst s6  }
0xf: {  	[smem:$0x3FB1] =	sst s7  }
0x10: {  	[smem:$0x3FB2] =	sst s8  }
0x11: {  	[smem:$0x3FB3] =	sst s9;
	s0 =	simm.s32 @!p0 $0x0  }
0x12: {  	s1 =	sld [smem:$0x3F99];
	s0 =	simm.s32 @p0 $0x1  }
0x13: {  	[smem:$0x3FB4] =	sst s0;
	s0 =	simm.s32 @!p1 $0x0  }
0x14: {  	s2 =	sld [smem:$0x3F98];
	s0 =	simm.s32 @p1 $0x1  }
0x15: {  	[smem:$0x3FB5] =	sst s0;
	s0 =	simm.s32 @!p2 $0x0  }
0x16: {  	s3 =	sld [smem:$0x3FDB];
	s0 =	simm.s32 @p2 $0x1  }
0x17: {  	s4 =	simm.s32 $0x1BF5;
	[smem:$0x3FB7] =	sst s0  }
0x18: {  	s0 =	sld [smem:$0x3F9A];
	_ =	swait.ge [sflag:s4], $0x0  }
0x19: {  	s7 =	sld [smem:$0x3F9B]  }
0x1a: {  	s8 =	sadd.s32 $0xFFFFE003, lr  }
0x1b: {  	s9 =	sadd.s32 $0xFFFFFEF7, lr;
	s5 =	simm.s32 $0xFFFFFFFF;
	p2 =	slt.u32 s8, $0xFFFFF086  }
0x1c: {  	p1 =	slt.u32 s9, $0xF7A;
	s5 =	simm.s32 @!p2 $0x0  }
0x1d: {  	s5 =	simm.s32 @p1 $0x1;
	p0 =	seq.s32 s7, s2  }
0x1e: {  	s7 =	smul.u32 @!p0 $0xF7A, s2;
	p2 =	seq.s32 @!p0 s5, $0x0  }
0x1f: {  	s9 =	smul.u32 $0xF7A, s1;
	s8 =	simm.s32 @!p0 $0x1BF5;
	p2 =	por !p2, p0  }
0x20: {  	[sflag:s8] =	ssyncset.s32 @!p0 $0xFFFFF086;
	s6 =	sadd.s32 @!p0 s3, s7;
	s7 =	simm.s32 @!p0 $0x108  }
0x21: {  	s3 =	sadd.s32 s3, s9;
	s6 =	sadd.s32 @!p0 $0x88, s6;
	s7 =	simm.s32 @p2 $0x1082  }
0x22: {  	[simem:s7], [sflag:s8] =	dma.local @!p0 [hbm:s6], $0xF7A  }
0x23: {  	s9 =	sor.u32 $0xD0000000, s2;
	s6 =	simm.s32 $0x108;
	_ =	swait.ge @!p0 [sflag:s8], $0x0  }
0x24: {  	s3 =	sadd.s32 $0x88, s3;
	s6 =	simm.s32 @!p1 $0x1082;
	[sflag:s4] =	ssyncset.s32 $0xFFFFF086  }
0x25: {  	[simem:s6], [sflag:s4] =	dma.local [hbm:s3], $0xF7A  }
0x26: {  	[smem:$0x3F9B] =	sst s1;
	(tag) =	ssettag s2;
	_ =	strace s9  }
0x27: {  	s1 =	sld [smem:$0x3FAB]  }
0x28: {  	s2 =	sld [smem:$0x3FAC]  }
0x29: {  	s4 =	sld [smem:$0x3FAE]  }
0x2a: {  	p0 =	seq.s32 s5, $0x0;
	s5 =	sld [smem:$0x3FAF]  }
0x2b: {  	s6 =	sld [smem:$0x3FB0]  }
0x2c: {  	s7 =	sld [smem:$0x3FB1]  }
0x2d: {  	s3 =	simm.s32 $0x108;
	s8 =	sld [smem:$0x3FB2]  }
0x2e: {  	s3 =	simm.s32 @!p0 $0x1082;
	s9 =	sld [smem:$0x3FB3]  }
0x2f: {  	lr =	sadd.s32 s0, s3;
	s0 =	sld [smem:$0x3FAA]  }
0x30: {  	s3 =	sld [smem:$0x3FAD]  }
0x31: {  	[smem:$0x3FB6] =	sst s10  }
0x32: {  	s10 =	sld [smem:$0x3FB4];
	_ =	sdelay $0x3  }
0x33: {  	p0 =	seq.s32 s10, $0x1;
	s10 =	sld [smem:$0x3FB6];
	_ =	sdelay $0x3  }
0x34: {  	[smem:$0x3FB6] =	sst s10  }
0x35: {  	s10 =	sld [smem:$0x3FB5];
	_ =	sdelay $0x3  }
0x36: {  	p1 =	seq.s32 s10, $0x1;
	s10 =	sld [smem:$0x3FB6];
	_ =	sdelay $0x3  }
0x37: {  	[smem:$0x3FB6] =	sst s10  }
0x38: {  	s10 =	sld [smem:$0x3FB7]  }
0x39: {  	_ = 	snop;
	(pc) =	sbr.ind lr, $3  }
0x3a: {  	_ = 	snop  }
0x3b: {  	_ = 	snop  }
0x3c: {  	p2 =	seq.s32 s10, $0x1;
	s10 =	sld [smem:$0x3FB6]  }
0x3d: {  	_ =	shalt  }
0x3e: {  	_ =	shalt  }
0x3f: {  	_ =	shalt  }
0x40: {  	_ =	shalt  }
0x41: {  	_ =	shalt  }
0x42: {  	_ =	shalt  }
0x43: {  	_ =	shalt  }
0x44: {  	_ =	shalt  }
0x45: {  	_ =	shalt  }
0x46: {  	_ =	shalt  }
0x47: {  	_ =	shalt  }
0x48: {  	_ =	shalt  }
0x49: {  	_ =	shalt  }
0x4a: {  	_ =	shalt  }
0x4b: {  	_ =	shalt  }
0x4c: {  	_ =	shalt  }
0x4d: {  	_ =	shalt  }
0x4e: {  	_ =	shalt  }
0x4f: {  	_ =	shalt  }
0x50: {  	_ =	shalt  }
0x51: {  	_ =	shalt  }
0x52: {  	_ =	shalt  }
0x53: {  	_ =	shalt  }
0x54: {  	_ =	shalt  }
0x55: {  	_ =	shalt  }
0x56: {  	_ =	shalt  }
0x57: {  	_ =	shalt  }
0x58: {  	_ =	shalt  }
0x59: {  	_ =	shalt  }
0x5a: {  	_ =	shalt  }
0x5b: {  	_ =	shalt  }
0x5c: {  	_ =	shalt  }
0x5d: {  	_ =	shalt  }
0x5e: {  	_ =	shalt  }
0x5f: {  	_ =	shalt  }
0x60: {  	_ =	shalt  }
0x61: {  	_ =	shalt  }
0x62: {  	_ =	shalt  }
0x63: {  	_ =	shalt  }
0x64: {  	_ =	shalt  }
0x65: {  	_ =	shalt  }
0x66: {  	_ =	shalt  }
0x67: {  	_ =	shalt  }
0x68: {  	_ =	shalt  }
0x69: {  	_ =	shalt  }
0x6a: {  	_ =	shalt  }
0x6b: {  	_ =	shalt  }
0x6c: {  	_ =	shalt  }
0x6d: {  	_ =	shalt  }
0x6e: {  	_ =	shalt  }
0x6f: {  	_ =	shalt  }
0x70: {  	_ =	shalt  }
0x71: {  	_ =	shalt  }
0x72: {  	_ =	shalt  }
0x73: {  	_ =	shalt  }
0x74: {  	_ =	shalt  }
0x75: {  	_ =	shalt  }
0x76: {  	_ =	shalt  }
0x77: {  	_ =	shalt  }
0x78: {  	_ =	shalt  }
0x79: {  	_ =	shalt  }
0x7a: {  	_ =	shalt  }
0x7b: {  	_ =	shalt  }
0x7c: {  	_ =	shalt  }
0x7d: {  	_ =	shalt  }
0x7e: {  	_ =	shalt  }
0x7f: {  	_ =	shalt  }
0x80: {  	_ =	shalt  }
0x81: {  	_ =	shalt  }
0x82: {  	_ =	shalt  }
0x83: {  	_ =	shalt  }
0x84: {  	_ =	shalt  }
0x85: {  	_ =	shalt  }
0x86: {  	_ =	shalt  }
0x87: {  	_ =	shalt  }
.Lfunc_end0:
.L_simem_size_0:
called_computation.2_lowered:
.L_overlay_start_0:
0x88: {  	s2 =	sld [smem:$0x3FD9]  }
0x89: {  	s3 =	sld [smem:$0x3FFE];
	_ =	sdelay $0x1  }
0x8a: {  	s1 =	srdreg.scid  }
0x8b: {  	s0 =	sand.u32 $0x1, s1  }
0x8c: {  	s17 =	sshll.u32 s0, $0xA;
	s2 =	sadd.s32 s3, s2  }
0x8d: {  	s2 =	sadd.s32 s2, s17  }
0x8e: {  	[smem:$0x3FC2] =	sst s2  }
0x8f: {  	_ = 	snop  }
0x90: {  	s2 =	sld [smem:$0x3FD0];
	(tm) =	ssettm $0x1  }
0x91: {  	s18 =	sld [smem:$0x3FFB];
	_ =	sdelay $0x3  }
0x92: {  	_ =	strace s18  }
0x93: {  	s3 =	sld [smem:$0x3FFC];
	_ =	sdelay $0x3  }
0x94: {  	_ =	strace s3  }
0x95: {  	s3 =	sld [smem:$0x3FFD];
	_ =	sdelay $0x3  }
0x96: {  	_ =	strace s3  }
0x97: {  	_ =	strace $0x8FFFFFFF  }
0x98: {  	s19 =	sld [smem:$0x3FDB];
	_ =	sdelay $0x1  }
0x99: {  	s4 =	simm.s32 $_scs_section_size  }
0x9a: {  	s5 =	simm.s32 $_size__tile_overlayer_lowered;
	s6 =	simm.s32 $_tile_overlayer_lowered  }
0x9b: {  	s22 =	simm.s32 $0x1BFF;
	s21 =	sshll.u32 s6, $0x1;
	s3 =	sadd.s32 s4, s19  }
0x9c: {  	s7 =	simm.s32 $0x0;
	s20 =	sshll.u32 s5, $0x1;
	s5 =	sadd.s32 s21, s3  }
0x9d: {  	[timem:s7], [sflag:s22] =	dma.local [hbm:s5], s20  }
0x9e: {  	_ =	swait.ge [sflag:s22], s20  }
0x9f: {  	s4 =	ssub.s32 $0x0, s20;
	[sflag:s22] =	ssyncset.done $0x0  }
0xa0: {  	[sflag:s22] =	ssyncadd.s32 s4;
	_ =	sdelay $0x1  }
0xa1: {  	s23 =	simm.s32 $0x1B8B  }
0xa2: {  	_ =	swait.ge [sflag:s23], $0x1  }
0xa3: {  	[sflag:s23] =	ssyncset.done $0x0  }
0xa4: {  	s25 =	simm.s32 $0x1B8E;
	s24 =	sld [smem:$0x3FFE];
	[sflag:s23] =	ssyncadd.s32 $0xFFFFFFFF  }
0xa5: {  	s26 =	simm.s32 $execute0_lowered;
	[smem:$0x3FD2] =	sst s25  }
0xa6: {  	s5 =	sshll.u32 s26, $0x1;
	_ =	strace $0x8000004C;
	[dreg:$0x1] =	wrdreg $0xFFFFFFFF  }
0xa7: {  	s28 =	simm.s32 $_size_execute0_lowered;
	s3 =	sadd.s32 s3, s5;
	[dreg:$0x0] =	wrdreg $0x0  }
0xa8: {  	s5 =	sshll.u32 s28, $0x1;
	[dreg:$0x2] =	wrdreg s3  }
0xa9: {  	[dreg:$0x3] =	wrdreg s5  }
0xaa: {  	[dreg:$0x4] =	wrdreg $0xC0  }
0xab: {  	_ =	task [dreg:s7], $0x5FFFF  }
0xac: {  	[dreg:$0x1] =	wrdreg $0xFFFFFFFF  }
0xad: {  	[dreg:$0x0] =	wrdreg $0x60  }
0xae: {  	[dreg:$0x2] =	wrdreg s24  }
0xaf: {  	[dreg:$0x3] =	wrdreg s2  }
0xb0: {  	[dreg:$0x4] =	wrdreg $0x52800  }
0xb1: {  	[dreg:$0x5] =	wrdreg $0x55000  }
0xb2: {  	[dreg:$0x6] =	wrdreg $0x9  }
0xb3: {  	_ =	task.clear_ibuf [dreg:s7], $0x7FFFF;
	_ =	strace $0x9000004C  }
0xb4: {  	s29 =	simm.s32 $0x9;
	_ =	strace $0x8000004E  }
0xb5: {  	_ =	swait.ge [sflag:s29], $0x1  }
0xb6: {  	[sflag:s29] =	ssyncadd.s32 $0xFFFFFFFF  }
0xb7: {  	_ =	strace $0x9000004E  }
0xb8: {  	_ =	sfence  }
0xb9: {  	s30 =	sld [smem:$0x0];
	_ =	sdelay $0x2  }
0xba: {  	s31 =	sshll.u32 s1, $0xD;
	s1 =	sshrl.u32 s1, $0x2  }
0xbb: {  	s3 =	sand.u32 $0x4000, s31;
	s1 =	sadd.s32 s1, s30  }
0xbc: {  	s0 =	sor.u32 s3, s0;
	s1 =	sshll.u32 s1, $0x11  }
0xbd: {  	s0 =	sor.u32 s1, s0  }
0xbe: {  	s0 =	sadd.s32 $0x8F2B, s0  }
0xbf: {  	[sflag:s0] =	ssyncadd.remote.s32 $0x1  }
0xc0: {  	_ =	sfence.sel $0xFFFF  }
0xc1: {  	[dreg:$0x0] =	wrdreg $0xFFFFFFFF;
	(pc) =	sbr.abs _section_cstart, $3  }
0xc2: {  	[dreg:$0x1] =	wrdreg $0xFFFFFFFF  }
0xc3: {  	_ =	task.clear_ibuf [dreg:s7], $0x2FFFF;
	_ =	strace $0x9FFFFFFF  }
0xc4: {  	(tm) =	ssettm $0x7FFFFFFF  }
0xc5: {  	_ =	shalt  }
tec
execute0_lowered:
.L_overlay_start_1:
0x0: {  	(tag) =	ssettag $0x1  }
0x1: {  	s5 =	rddreg [dreg:$0x0]  }
0x2: {  	s8 =	rddreg [dreg:$0x1]  }
0x3: {  	s2 =	rddreg [dreg:$0x2]  }
0x4: {  	s0 =	srdreg.scid;
	s3 =	rddreg [dreg:$0x3]  }
0x5: {  	s4 =	simm.s32 $0x0;
	s15 =	simm.s32 $0x80;
	s16 =	simm.s32 $0x5100  }
0x6: {  	s17 =	simm.s32 $0x5180;
	s18 =	simm.s32 $0x100;
	s19 =	simm.s32 $0x5200  }
0x7: {  	s20 =	simm.s32 $0x1;
	s21 =	simm.s32 $0x2;
	s22 =	simm.s32 $0x3  }
0x8: {  	s23 =	simm.s32 $0x4F80;
	s6 =	sand.u32 $0x1, s0;
	s0 =	stileid.u32  }
0x9: {  	s26 =	simm.s32 $0x5080;
	s28 =	simm.s32 $0x0;
	s9 =	smul.u32 $0x280, s0  }
0xa: {  	[smem:$0x7FF] =	sst s4;
	s1 =	sshll.u32 s6, $0x4;
	s10 =	smul.u32 $0x500, s6  }
0xb: {  	s6 =	ssub.s32 $0x2, s6;
	s31 =	sshll.u32 s0, $0x6;
	s7 =	sor.u32 s0, s1  }
0xc: {  	s1 =	rddreg [dreg:$0x4];
	_ =	strace $0x8000004D;
	s11 =	sshrl.u32 s6, $0x1  }
0xd: {  	s7 =	smul.u32 $0x510, s7;
	s24 =	sshrl.u32 s9, $0x3;
	s10 =	sadd.s32 s10, s5  }
0xe: {  	s11 =	ssub.s32 s6, s11;
	s13 =	sadd.s32 s9, s2;
	s14 =	sadd.s32 s9, s3  }
0xf: {  	s12 =	sadd.s32 s24, s5;
	s8 =	sadd.s32 s8, s24;
	s25 =	sadd.s32 $0x15C00, s10  }
0x10: {  	s9 =	smax.u32 s11, $0x1;
	s10 =	simm.s32 $0x4;
	s11 =	simm.s32 $0x2880  }
0x11: {  	s13 =	sshrl.u32 s13, $0x3;
	s14 =	sshrl.u32 s14, $0x3;
	s7 =	sadd.s32 s7, s5  }
0x12: {  	s24 =	sadd.s32 s24, s25;
	s25 =	simm.s32 $0x5000;
	s5 =	sadd.s32 $0xB400, s7  }
0x13: {  	s6 =	sadd.s32 $0x1200, s7;
	s7 =	sadd.s32 $0x15600, s12;
	s12 =	sor.u32 $0x1C04, s31  }
.LBB2_1:
0x14: {  	[tilespmem:s4], [sflag:$0x4] =	stream.linear.gather [hbm4b:s5+s4], $0x2880, $0x38;
	[tilespmem:$0x5780] =	vst v63  }
0x15: {  	_ =	swait.ge [sflag:s10], $0x2880  }
0x16: {  	[sflag:s10] =	ssyncset.done $0x0  }
0x17: {  	[sflag:s10] =	ssyncadd.s32 $0xFFFFD780  }
0x18: {  	[tilespmem:s11], [sflag:$0x4] =	stream.linear.gather [hbm4b:s6+s4], $0x2880, $0x38;
	[tilespmem:$0x5780] =	vst v63  }
0x19: {  	_ =	swait.ge [sflag:s10], $0x2880  }
0x1a: {  	[sflag:s10] =	ssyncset.done $0x0  }
0x1b: {  	[sflag:s10] =	ssyncadd.s32 $0xFFFFD780  }
0x1c: {  	[spmem:s13], [sflag:s12] =	dma.local [hbm:s7], $0x50  }
0x1d: {  	_ =	swait.ge [sflag:s10], $0x50  }
0x1e: {  	[sflag:s10] =	ssyncset.done $0x0  }
0x1f: {  	[sflag:s10] =	ssyncadd.s32 $0xFFFFFFB0  }
0x20: {  	[spmem:s14], [sflag:s12] =	dma.local [hbm:s8], $0x50  }
0x21: {  	_ =	swait.ge [sflag:s10], $0x50  }
0x22: {  	[sflag:s10] =	ssyncset.done $0x0  }
0x23: {  	[sflag:s10] =	ssyncadd.s32 $0xFFFFFFB0  }
0x24: {  	[bflag:$0x0] =	sbarrier.arrive $0xFFFF  }
0x25: {  	[tilespmem:s16], [sflag:$0x1] =	stream.indirect.gather [spmem:s2], $0x1, s4, s15, $0xb8;
	[tilespmem:$0x5780] =	vst v63  }
0x26: {  	_ = 	snop  }
0x27: {  	[tilespmem:s17], [sflag:$0x2] =	stream.indirect.gather [spmem:s2], $0x1, s15, s15, $0xb8;
	[tilespmem:$0x5780] =	vst v63  }
0x28: {  	_ = 	snop  }
0x29: {  	[tilespmem:s19], [sflag:$0x3] =	stream.indirect.gather [spmem:s2], $0x1, s18, s15, $0xb8;
	[tilespmem:$0x5780] =	vst v63  }
0x2a: {  	_ =	swait.ge [sflag:s20], $0x80  }
0x2b: {  	[sflag:s20] =	ssyncset.done $0x0  }
0x2c: {  	s29 =	simm.s32 $0x2880;
	[sflag:s20] =	ssyncadd.s32 $0xFFFFFF80  }
0x2d: {  	[spmem:s3] =	stream.indirect.scatter.add.f32 [tilespmem:s16], [sflag:$0x4], $0x1, s29, s15, $0xb8;
	[tilespmem:$0x5780] =	vst v63  }
0x2e: {  	_ =	swait.ge [sflag:s10], $0x80  }
0x2f: {  	[sflag:s10] =	ssyncset.done $0x0  }
0x30: {  	s29 =	simm.s32 $0x180;
	[sflag:s10] =	ssyncadd.s32 $0xFFFFFF80  }
0x31: {  	[tilespmem:s16], [sflag:$0x1] =	stream.indirect.gather [spmem:s2], $0x1, s29, s15, $0xb8;
	[tilespmem:$0x5780] =	vst v63  }
0x32: {  	_ =	swait.ge [sflag:s21], $0x80  }
0x33: {  	[sflag:s21] =	ssyncset.done $0x0  }
0x34: {  	s29 =	simm.s32 $0x2900;
	[sflag:s21] =	ssyncadd.s32 $0xFFFFFF80  }
0x35: {  	[spmem:s3] =	stream.indirect.scatter.add.f32 [tilespmem:s17], [sflag:$0x4], $0x1, s29, s15, $0xb8;
	[tilespmem:$0x5780] =	vst v63  }
0x36: {  	_ =	swait.ge [sflag:s10], $0x80  }
0x37: {  	[sflag:s10] =	ssyncset.done $0x0  }
0x38: {  	s29 =	simm.s32 $0x200;
	[sflag:s10] =	ssyncadd.s32 $0xFFFFFF80  }
0x39: {  	[tilespmem:s17], [sflag:$0x2] =	stream.indirect.gather [spmem:s2], $0x1, s29, s15, $0xb8;
	[tilespmem:$0x5780] =	vst v63  }
0x3a: {  	_ =	swait.ge [sflag:s22], $0x80  }
0x3b: {  	[sflag:s22] =	ssyncset.done $0x0  }
0x3c: {  	s29 =	simm.s32 $0x2980;
	[sflag:s22] =	ssyncadd.s32 $0xFFFFFF80  }
0x3d: {  	[spmem:s3] =	stream.indirect.scatter.add.f32 [tilespmem:s19], [sflag:$0x4], $0x1, s29, s15, $0xb8;
	[tilespmem:$0x5780] =	vst v63  }
0x3e: {  	_ =	swait.ge [sflag:s10], $0x80  }
0x3f: {  	[sflag:s10] =	ssyncset.done $0x0  }
0x40: {  	s30 =	simm.s32 $0x280;
	s29 =	simm.s32 $0x600;
	[sflag:s10] =	ssyncadd.s32 $0xFFFFFF80  }
.LBB2_2:
0x41: {  	[tilespmem:s19], [sflag:$0x3] =	stream.indirect.gather [spmem:s2], $0x1, s30, s15, $0xb8;
	[tilespmem:$0x5780] =	vst v63  }
0x42: {  	s30 =	smov.u32 s29  }
0x43: {  	p0 =	sne.s32 s29, $0x9600;
	s29 =	sadd.s32 $0x600, s29;
	_ =	swait.ge [sflag:s20], $0x80  }
0x44: {  	s30 =	sshra.s32 s30, $0x2;
	[sflag:s20] =	ssyncset.done $0x0  }
0x45: {  	s31 =	sadd.s32 $0x2880, s30;
	[sflag:s20] =	ssyncadd.s32 $0xFFFFFF80  }
0x46: {  	[spmem:s3] =	stream.indirect.scatter.add.f32 [tilespmem:s16], [sflag:$0x4], $0x1, s31, s15, $0xb8;
	[tilespmem:$0x5780] =	vst v63  }
0x47: {  	_ =	swait.ge [sflag:s10], $0x80  }
0x48: {  	[sflag:s10] =	ssyncset.done $0x0  }
0x49: {  	s31 =	sadd.s32 $0x180, s30;
	[sflag:s10] =	ssyncadd.s32 $0xFFFFFF80  }
0x4a: {  	[tilespmem:s16], [sflag:$0x1] =	stream.indirect.gather [spmem:s2], $0x1, s31, s15, $0xb8;
	[tilespmem:$0x5780] =	vst v63  }
0x4b: {  	_ =	swait.ge [sflag:s21], $0x80  }
0x4c: {  	[sflag:s21] =	ssyncset.done $0x0  }
0x4d: {  	s31 =	sadd.s32 $0x2900, s30;
	[sflag:s21] =	ssyncadd.s32 $0xFFFFFF80  }
0x4e: {  	[spmem:s3] =	stream.indirect.scatter.add.f32 [tilespmem:s17], [sflag:$0x4], $0x1, s31, s15, $0xb8;
	[tilespmem:$0x5780] =	vst v63  }
0x4f: {  	_ =	swait.ge [sflag:s10], $0x80  }
0x50: {  	[sflag:s10] =	ssyncset.done $0x0  }
0x51: {  	s31 =	sadd.s32 $0x200, s30;
	[sflag:s10] =	ssyncadd.s32 $0xFFFFFF80  }
0x52: {  	[tilespmem:s17], [sflag:$0x2] =	stream.indirect.gather [spmem:s2], $0x1, s31, s15, $0xb8;
	[tilespmem:$0x5780] =	vst v63  }
0x53: {  	_ =	swait.ge [sflag:s22], $0x80  }
0x54: {  	[sflag:s22] =	ssyncset.done $0x0  }
.Ltmp0:
0x55: {  	s31 =	sadd.s32 $0x2980, s30;
	[sflag:s22] =	ssyncadd.s32 $0xFFFFFF80;
	(pc) =	sbr.rel @p0 .LBB2_2-.Ltmp0, $4  }
0x56: {  	[spmem:s3] =	stream.indirect.scatter.add.f32 [tilespmem:s19], [sflag:$0x4], $0x1, s31, s15, $0xb8;
	[tilespmem:$0x5780] =	vst v63  }
0x57: {  	_ =	swait.ge [sflag:s10], $0x80  }
0x58: {  	[sflag:s10] =	ssyncset.done $0x0  }
0x59: {  	s30 =	sadd.s32 $0x280, s30;
	[sflag:s10] =	ssyncadd.s32 $0xFFFFFF80  }
0x5a: {  	[tilespmem:s19], [sflag:$0x3] =	stream.indirect.gather [spmem:s2], $0x1, s30, s15, $0xb8;
	[tilespmem:$0x5780] =	vst v63  }
0x5b: {  	_ =	swait.ge [sflag:s20], $0x80  }
0x5c: {  	[sflag:s20] =	ssyncset.done $0x0  }
0x5d: {  	[sflag:s20] =	ssyncadd.s32 $0xFFFFFF80  }
0x5e: {  	[spmem:s3] =	stream.indirect.scatter.add.f32 [tilespmem:s16], [sflag:$0x4], $0x1, s23, s15, $0xb8;
	[tilespmem:$0x5780] =	vst v63  }
0x5f: {  	_ =	swait.ge [sflag:s10], $0x80  }
0x60: {  	[sflag:s10] =	ssyncset.done $0x0  }
0x61: {  	[sflag:s10] =	ssyncadd.s32 $0xFFFFFF80  }
0x62: {  	_ =	swait.ge [sflag:s21], $0x80  }
0x63: {  	[sflag:s21] =	ssyncset.done $0x0  }
0x64: {  	[sflag:s21] =	ssyncadd.s32 $0xFFFFFF80  }
0x65: {  	[spmem:s3] =	stream.indirect.scatter.add.f32 [tilespmem:s17], [sflag:$0x4], $0x1, s25, s15, $0xb8;
	[tilespmem:$0x5780] =	vst v63  }
0x66: {  	_ =	swait.ge [sflag:s10], $0x80  }
0x67: {  	[sflag:s10] =	ssyncset.done $0x0  }
0x68: {  	[sflag:s10] =	ssyncadd.s32 $0xFFFFFF80  }
0x69: {  	_ =	swait.ge [sflag:s22], $0x80  }
0x6a: {  	[sflag:s22] =	ssyncset.done $0x0  }
0x6b: {  	[sflag:s22] =	ssyncadd.s32 $0xFFFFFF80  }
0x6c: {  	[spmem:s3] =	stream.indirect.scatter.add.f32 [tilespmem:s19], [sflag:$0x4], $0x1, s26, s15, $0xb8;
	[tilespmem:$0x5780] =	vst v63  }
0x6d: {  	_ =	swait.ge [sflag:s10], $0x80  }
0x6e: {  	s28 =	sadd.s32 $0x1, s28;
	[sflag:s10] =	ssyncset.done $0x0  }
0x6f: {  	p0 =	sne.s32 s28, s9;
	[sflag:s10] =	ssyncadd.s32 $0xFFFFFF80  }
.Ltmp1:
0x70: {  	[bflag:$0x0] =	sbarrier.arrive $0xFFFF;
	(pc) =	sbr.rel @p0 .LBB2_1-.Ltmp1, $4  }
0x71: {  	[hbm:s24], [sflag:s12] =	dma.local [spmem:s14], $0x50  }
0x72: {  	_ =	swait.ge [sflag:s10], $0x50  }
0x73: {  	[sflag:s10] =	ssyncset.done $0x0  }
0x74: {  	[sflag:s10] =	ssyncadd.s32 $0xFFFFFFB0  }
0x75: {  	_ =	sfence.sel $0x180000  }
0x76: {  	[bflag:$0x0] =	sbarrier.arrive $0xFFFF  }
0x77: {  	p0 =	sne.s32 s0, $0x0;
	_ =	strace $0x9000004D  }
0x78: {  	s0 =	sadd.s32 @!p0 $0x100000, s1;
	[bflag:$0x2] =	sbarrier.arrive $0xFFFF  }
0x79: {  	[sflag:s0] =	ssyncadd.tile.s32 @!p0 $0x1;
	_ =	shalt  }
.Lfunc_end2:
_tile_overlayer_lowered:
.L_overlay_start_2:
0x7a: {  	(tag) =	ssettag $0x2  }
0x7b: {  	s0 =	rddreg [dreg:$0x0];
	s2 =	stileid.u32  }
0x7c: {  	s1 =	rddreg [dreg:$0x1];
	p0 =	sne.s32 s2, $0x0  }
0x7d: {  	s3 =	rddreg [dreg:$0x2];
	[bflag:$0x3] =	sbarrier.arrive $0xFFFF;
	s2 =	simm.s32 @!p0 $0x1C04  }
0x7e: {  	[timem:s3], [sflag:s2] =	dma.local @!p0 [hbm:s0], s1  }
0x7f: {  	s0 =	simm.s32 @!p0 $0x4  }
0x80: {  	_ =	swait.ge @!p0 [sflag:s0], s1  }
0x81: {  	s1 =	ssub.s32 @!p0 $0x0, s1;
	[sflag:s0] =	ssyncset.done @!p0 $0x0  }
0x82: {  	[sflag:s0] =	ssyncadd.s32 @!p0 s1  }
0x83: {  	[bflag:$0x3] =	sbarrier.arrive $0xFFFF  }
0x84: {  	_ =	shalt  }

// kernel: kernel.9.cloned.1.call-start
scs
__scs_entry_jumppad:
0x0: {  	(pc) =	sbr.rel $0x88, $3  }
0x1: {  	(tag) =	ssettag $0x0;
	lr =	simm.s32 $0x1  }
0x2: {  	[smem:$0x3F9B] =	sst lr;
	_ =	strace $0xD0000000  }
0x3: {  	_ = 	snop  }
0x4: {  	_ = 	snop  }
0x5: {  	_ = 	snop  }
0x6: {  	_ = 	snop  }
0x7: {  	_ = 	snop  }
__scs_overlays_trampoline_lowered:
0x8: {  	[smem:$0x3FAA] =	sst s0  }
0x9: {  	[smem:$0x3FAB] =	sst s1  }
0xa: {  	[smem:$0x3FAC] =	sst s2  }
0xb: {  	[smem:$0x3FAD] =	sst s3  }
0xc: {  	[smem:$0x3FAE] =	sst s4  }
0xd: {  	[smem:$0x3FAF] =	sst s5  }
0xe: {  	[smem:$0x3FB0] =	sst s6  }
0xf: {  	[smem:$0x3FB1] =	sst s7  }
0x10: {  	[smem:$0x3FB2] =	sst s8  }
0x11: {  	[smem:$0x3FB3] =	sst s9;
	s0 =	simm.s32 @!p0 $0x0  }
0x12: {  	s1 =	sld [smem:$0x3F99];
	s0 =	simm.s32 @p0 $0x1  }
0x13: {  	[smem:$0x3FB4] =	sst s0;
	s0 =	simm.s32 @!p1 $0x0  }
0x14: {  	s2 =	sld [smem:$0x3F98];
	s0 =	simm.s32 @p1 $0x1  }
0x15: {  	[smem:$0x3FB5] =	sst s0;
	s0 =	simm.s32 @!p2 $0x0  }
0x16: {  	s3 =	sld [smem:$0x3FDB];
	s0 =	simm.s32 @p2 $0x1  }
0x17: {  	s4 =	simm.s32 $0x1BF5;
	[smem:$0x3FB7] =	sst s0  }
0x18: {  	s0 =	sld [smem:$0x3F9A];
	_ =	swait.ge [sflag:s4], $0x0  }
0x19: {  	s7 =	sld [smem:$0x3F9B]  }
0x1a: {  	s8 =	sadd.s32 $0xFFFFE003, lr  }
0x1b: {  	s9 =	sadd.s32 $0xFFFFFEF7, lr;
	s5 =	simm.s32 $0xFFFFFFFF;
	p2 =	slt.u32 s8, $0xFFFFF086  }
0x1c: {  	p1 =	slt.u32 s9, $0xF7A;
	s5 =	simm.s32 @!p2 $0x0  }
0x1d: {  	s5 =	simm.s32 @p1 $0x1;
	p0 =	seq.s32 s7, s2  }
0x1e: {  	s7 =	smul.u32 @!p0 $0xF7A, s2;
	p2 =	seq.s32 @!p0 s5, $0x0  }
0x1f: {  	s9 =	smul.u32 $0xF7A, s1;
	s8 =	simm.s32 @!p0 $0x1BF5;
	p2 =	por !p2, p0  }
0x20: {  	[sflag:s8] =	ssyncset.s32 @!p0 $0xFFFFF086;
	s6 =	sadd.s32 @!p0 s3, s7;
	s7 =	simm.s32 @!p0 $0x108  }
0x21: {  	s3 =	sadd.s32 s3, s9;
	s6 =	sadd.s32 @!p0 $0x88, s6;
	s7 =	simm.s32 @p2 $0x1082  }
0x22: {  	[simem:s7], [sflag:s8] =	dma.local @!p0 [hbm:s6], $0xF7A  }
0x23: {  	s9 =	sor.u32 $0xD0000000, s2;
	s6 =	simm.s32 $0x108;
	_ =	swait.ge @!p0 [sflag:s8], $0x0  }
0x24: {  	s3 =	sadd.s32 $0x88, s3;
	s6 =	simm.s32 @!p1 $0x1082;
	[sflag:s4] =	ssyncset.s32 $0xFFFFF086  }
0x25: {  	[simem:s6], [sflag:s4] =	dma.local [hbm:s3], $0xF7A  }
0x26: {  	[smem:$0x3F9B] =	sst s1;
	(tag) =	ssettag s2;
	_ =	strace s9  }
0x27: {  	s1 =	sld [smem:$0x3FAB]  }
0x28: {  	s2 =	sld [smem:$0x3FAC]  }
0x29: {  	s4 =	sld [smem:$0x3FAE]  }
0x2a: {  	p0 =	seq.s32 s5, $0x0;
	s5 =	sld [smem:$0x3FAF]  }
0x2b: {  	s6 =	sld [smem:$0x3FB0]  }
0x2c: {  	s7 =	sld [smem:$0x3FB1]  }
0x2d: {  	s3 =	simm.s32 $0x108;
	s8 =	sld [smem:$0x3FB2]  }
0x2e: {  	s3 =	simm.s32 @!p0 $0x1082;
	s9 =	sld [smem:$0x3FB3]  }
0x2f: {  	lr =	sadd.s32 s0, s3;
	s0 =	sld [smem:$0x3FAA]  }
0x30: {  	s3 =	sld [smem:$0x3FAD]  }
0x31: {  	[smem:$0x3FB6] =	sst s10  }
0x32: {  	s10 =	sld [smem:$0x3FB4];
	_ =	sdelay $0x3  }
0x33: {  	p0 =	seq.s32 s10, $0x1;
	s10 =	sld [smem:$0x3FB6];
	_ =	sdelay $0x3  }
0x34: {  	[smem:$0x3FB6] =	sst s10  }
0x35: {  	s10 =	sld [smem:$0x3FB5];
	_ =	sdelay $0x3  }
0x36: {  	p1 =	seq.s32 s10, $0x1;
	s10 =	sld [smem:$0x3FB6];
	_ =	sdelay $0x3  }
0x37: {  	[smem:$0x3FB6] =	sst s10  }
0x38: {  	s10 =	sld [smem:$0x3FB7]  }
0x39: {  	_ = 	snop;
	(pc) =	sbr.ind lr, $3  }
0x3a: {  	_ = 	snop  }
0x3b: {  	_ = 	snop  }
0x3c: {  	p2 =	seq.s32 s10, $0x1;
	s10 =	sld [smem:$0x3FB6]  }
0x3d: {  	_ =	shalt  }
0x3e: {  	_ =	shalt  }
0x3f: {  	_ =	shalt  }
0x40: {  	_ =	shalt  }
0x41: {  	_ =	shalt  }
0x42: {  	_ =	shalt  }
0x43: {  	_ =	shalt  }
0x44: {  	_ =	shalt  }
0x45: {  	_ =	shalt  }
0x46: {  	_ =	shalt  }
0x47: {  	_ =	shalt  }
0x48: {  	_ =	shalt  }
0x49: {  	_ =	shalt  }
0x4a: {  	_ =	shalt  }
0x4b: {  	_ =	shalt  }
0x4c: {  	_ =	shalt  }
0x4d: {  	_ =	shalt  }
0x4e: {  	_ =	shalt  }
0x4f: {  	_ =	shalt  }
0x50: {  	_ =	shalt  }
0x51: {  	_ =	shalt  }
0x52: {  	_ =	shalt  }
0x53: {  	_ =	shalt  }
0x54: {  	_ =	shalt  }
0x55: {  	_ =	shalt  }
0x56: {  	_ =	shalt  }
0x57: {  	_ =	shalt  }
0x58: {  	_ =	shalt  }
0x59: {  	_ =	shalt  }
0x5a: {  	_ =	shalt  }
0x5b: {  	_ =	shalt  }
0x5c: {  	_ =	shalt  }
0x5d: {  	_ =	shalt  }
0x5e: {  	_ =	shalt  }
0x5f: {  	_ =	shalt  }
0x60: {  	_ =	shalt  }
0x61: {  	_ =	shalt  }
0x62: {  	_ =	shalt  }
0x63: {  	_ =	shalt  }
0x64: {  	_ =	shalt  }
0x65: {  	_ =	shalt  }
0x66: {  	_ =	shalt  }
0x67: {  	_ =	shalt  }
0x68: {  	_ =	shalt  }
0x69: {  	_ =	shalt  }
0x6a: {  	_ =	shalt  }
0x6b: {  	_ =	shalt  }
0x6c: {  	_ =	shalt  }
0x6d: {  	_ =	shalt  }
0x6e: {  	_ =	shalt  }
0x6f: {  	_ =	shalt  }
0x70: {  	_ =	shalt  }
0x71: {  	_ =	shalt  }
0x72: {  	_ =	shalt  }
0x73: {  	_ =	shalt  }
0x74: {  	_ =	shalt  }
0x75: {  	_ =	shalt  }
0x76: {  	_ =	shalt  }
0x77: {  	_ =	shalt  }
0x78: {  	_ =	shalt  }
0x79: {  	_ =	shalt  }
0x7a: {  	_ =	shalt  }
0x7b: {  	_ =	shalt  }
0x7c: {  	_ =	shalt  }
0x7d: {  	_ =	shalt  }
0x7e: {  	_ =	shalt  }
0x7f: {  	_ =	shalt  }
0x80: {  	_ =	shalt  }
0x81: {  	_ =	shalt  }
0x82: {  	_ =	shalt  }
0x83: {  	_ =	shalt  }
0x84: {  	_ =	shalt  }
0x85: {  	_ =	shalt  }
0x86: {  	_ =	shalt  }
0x87: {  	_ =	shalt  }
.Lfunc_end0:
.L_simem_size_0:
called_computation_lowered:
.L_overlay_start_0:
0x88: {  	s2 =	sld [smem:$0x3FD9]  }
0x89: {  	s3 =	sld [smem:$0x3FFE];
	_ =	sdelay $0x1  }
0x8a: {  	s1 =	srdreg.scid  }
0x8b: {  	s0 =	sand.u32 $0x1, s1  }
0x8c: {  	s17 =	sshll.u32 s0, $0xA;
	s2 =	sadd.s32 s3, s2  }
0x8d: {  	s2 =	sadd.s32 s2, s17  }
0x8e: {  	[smem:$0x3FC2] =	sst s2  }
0x8f: {  	_ = 	snop  }
0x90: {  	s2 =	sld [smem:$0x3FD0];
	(tm) =	ssettm $0x1  }
0x91: {  	s18 =	sld [smem:$0x3FFB];
	_ =	sdelay $0x3  }
0x92: {  	_ =	strace s18  }
0x93: {  	s3 =	sld [smem:$0x3FFC];
	_ =	sdelay $0x3  }
0x94: {  	_ =	strace s3  }
0x95: {  	s3 =	sld [smem:$0x3FFD];
	_ =	sdelay $0x3  }
0x96: {  	_ =	strace s3  }
0x97: {  	_ =	strace $0x8FFFFFFF  }
0x98: {  	s19 =	sld [smem:$0x3FDB];
	_ =	sdelay $0x1  }
0x99: {  	s4 =	simm.s32 $_scs_section_size  }
0x9a: {  	s5 =	simm.s32 $_size__tile_overlayer_lowered;
	s6 =	simm.s32 $_tile_overlayer_lowered  }
0x9b: {  	s22 =	simm.s32 $0x1BFF;
	s21 =	sshll.u32 s6, $0x1;
	s3 =	sadd.s32 s4, s19  }
0x9c: {  	s7 =	simm.s32 $0x0;
	s20 =	sshll.u32 s5, $0x1;
	s5 =	sadd.s32 s21, s3  }
0x9d: {  	[timem:s7], [sflag:s22] =	dma.local [hbm:s5], s20  }
0x9e: {  	_ =	swait.ge [sflag:s22], s20  }
0x9f: {  	s4 =	ssub.s32 $0x0, s20;
	[sflag:s22] =	ssyncset.done $0x0  }
0xa0: {  	[sflag:s22] =	ssyncadd.s32 s4;
	_ =	sdelay $0x1  }
0xa1: {  	s23 =	simm.s32 $0x1B8B  }
0xa2: {  	_ =	swait.ge [sflag:s23], $0x1  }
0xa3: {  	[sflag:s23] =	ssyncset.done $0x0  }
0xa4: {  	s25 =	simm.s32 $0x1B8E;
	s24 =	sld [smem:$0x3FFE];
	[sflag:s23] =	ssyncadd.s32 $0xFFFFFFFF  }
0xa5: {  	s26 =	simm.s32 $execute0_lowered;
	[smem:$0x3FD2] =	sst s25  }
0xa6: {  	s5 =	sshll.u32 s26, $0x1;
	_ =	strace $0x80000046;
	[dreg:$0x1] =	wrdreg $0xFFFFFFFF  }
0xa7: {  	s28 =	simm.s32 $_size_execute0_lowered;
	s3 =	sadd.s32 s3, s5;
	[dreg:$0x0] =	wrdreg $0x0  }
0xa8: {  	s5 =	sshll.u32 s28, $0x1;
	[dreg:$0x2] =	wrdreg s3  }
0xa9: {  	[dreg:$0x3] =	wrdreg s5  }
0xaa: {  	[dreg:$0x4] =	wrdreg $0xC0  }
0xab: {  	_ =	task [dreg:s7], $0x5FFFF  }
0xac: {  	[dreg:$0x1] =	wrdreg $0xFFFFFFFF  }
0xad: {  	[dreg:$0x0] =	wrdreg $0x60  }
0xae: {  	[dreg:$0x2] =	wrdreg s24  }
0xaf: {  	[dreg:$0x3] =	wrdreg s2  }
0xb0: {  	[dreg:$0x4] =	wrdreg $0x29000  }
0xb1: {  	[dreg:$0x5] =	wrdreg $0x9  }
0xb2: {  	_ =	task.clear_ibuf [dreg:s7], $0x6FFFF;
	_ =	strace $0x90000046  }
0xb3: {  	s29 =	simm.s32 $0x9;
	_ =	strace $0x80000048  }
0xb4: {  	_ =	swait.ge [sflag:s29], $0x1  }
0xb5: {  	[sflag:s29] =	ssyncadd.s32 $0xFFFFFFFF  }
0xb6: {  	_ =	strace $0x90000048  }
0xb7: {  	_ =	sfence  }
0xb8: {  	s30 =	sld [smem:$0x0];
	_ =	sdelay $0x2  }
0xb9: {  	s31 =	sshll.u32 s1, $0xD;
	s1 =	sshrl.u32 s1, $0x2  }
0xba: {  	s3 =	sand.u32 $0x4000, s31;
	s1 =	sadd.s32 s1, s30  }
0xbb: {  	s0 =	sor.u32 s3, s0;
	s1 =	sshll.u32 s1, $0x11  }
0xbc: {  	s0 =	sor.u32 s1, s0  }
0xbd: {  	s0 =	sadd.s32 $0x8F2B, s0  }
0xbe: {  	[sflag:s0] =	ssyncadd.remote.s32 $0x1  }
0xbf: {  	_ =	sfence.sel $0xFFFF  }
0xc0: {  	[dreg:$0x0] =	wrdreg $0xFFFFFFFF;
	(pc) =	sbr.abs _section_cstart, $3  }
0xc1: {  	[dreg:$0x1] =	wrdreg $0xFFFFFFFF  }
0xc2: {  	_ =	task.clear_ibuf [dreg:s7], $0x2FFFF;
	_ =	strace $0x9FFFFFFF  }
0xc3: {  	(tm) =	ssettm $0x7FFFFFFF  }
tec
execute0_lowered:
.L_overlay_start_1:
0x0: {  	(tag) =	ssettag $0x1  }
0x1: {  	s5 =	rddreg [dreg:$0x0]  }
0x2: {  	s0 =	srdreg.scid;
	s6 =	rddreg [dreg:$0x1]  }
0x3: {  	s2 =	rddreg [dreg:$0x2];
	s1 =	stileid.u32  }
0x4: {  	s3 =	simm.s32 $0x0;
	s4 =	sand.u32 $0x1, s0;
	s0 =	rddreg [dreg:$0x3]  }
0x5: {  	s12 =	simm.s32 $0x80;
	[smem:$0x7FF] =	sst s3;
	s10 =	smul.u32 $0x280, s1  }
0x6: {  	s31 =	sshll.u32 s1, $0x6;
	s7 =	sshll.u32 s4, $0x4;
	_ =	strace $0x80000047  }
0x7: {  	s8 =	smul.u32 $0x500, s4;
	s9 =	ssub.s32 $0x2, s4;
	s4 =	sadd.s32 $0x15600, s5  }
0x8: {  	s7 =	sor.u32 s1, s7;
	s30 =	sshrl.u32 s9, $0x1;
	s13 =	sshrl.u32 s10, $0x3  }
0x9: {  	s11 =	sadd.s32 s10, s2;
	s10 =	sor.u32 $0x1C01, s31;
	s7 =	smul.u32 $0x510, s7  }
0xa: {  	s8 =	sadd.s32 s8, s5;
	s9 =	ssub.s32 s9, s30;
	s6 =	sadd.s32 s6, s13  }
0xb: {  	s11 =	sshrl.u32 s11, $0x3;
	s14 =	sadd.s32 $0x15800, s8;
	s8 =	simm.s32 $0x1  }
0xc: {  	s7 =	sadd.s32 s7, s5;
	s13 =	sadd.s32 s13, s14;
	s14 =	simm.s32 $0x0  }
0xd: {  	s5 =	sadd.s32 $0x1200, s7;
	s7 =	smax.u32 s9, $0x1;
	s9 =	simm.s32 $0x2880  }
.LBB2_1:
0xe: {  	[tilespmem:s3], [sflag:$0x1] =	stream.linear.gather [hbm4b:s5+s3], $0x2880, $0x38;
	[tilespmem:$0x2B80] =	vst v63  }
0xf: {  	_ =	swait.ge [sflag:s8], $0x2880  }
0x10: {  	[sflag:s8] =	ssyncset.done $0x0  }
0x11: {  	[sflag:s8] =	ssyncadd.s32 $0xFFFFD780  }
0x12: {  	[tilespmem:s9], [sflag:$0x1] =	stream.linear.gather [hbm4b:s4+s3], $0x80, $0x38;
	[tilespmem:$0x2B80] =	vst v63  }
0x13: {  	_ =	swait.ge [sflag:s8], $0x80  }
0x14: {  	[sflag:s8] =	ssyncset.done $0x0  }
0x15: {  	[sflag:s8] =	ssyncadd.s32 $0xFFFFFF80  }
0x16: {  	[spmem:s11], [sflag:s10] =	dma.local [hbm:s6], $0x50  }
0x17: {  	_ =	swait.ge [sflag:s8], $0x50  }
0x18: {  	[sflag:s8] =	ssyncset.done $0x0  }
0x19: {  	[sflag:s8] =	ssyncadd.s32 $0xFFFFFFB0  }
0x1a: {  	s15 =	simm.s32 $0x0;
	[bflag:$0x0] =	sbarrier.arrive $0xFFFF  }
0x1b: {  	[spmem:s2] =	stream.indirect.scatter.add.f32 [tilespmem:s9], [sflag:$0x1], $0x1, s15, s12, $0xb8;
	[tilespmem:$0x2B80] =	vst v63  }
0x1c: {  	_ =	swait.ge [sflag:s8], $0x80  }
0x1d: {  	s15 =	simm.s32 $0x200;
	[sflag:s8] =	ssyncset.done $0x0  }
.LBB2_2:
0x1e: {  	s16 =	sshra.s32 s15, $0x2;
	[sflag:s8] =	ssyncadd.s32 $0xFFFFFF80;
	p0 =	sne.s32 s15, $0xA000  }
0x1f: {  	[spmem:s2] =	stream.indirect.scatter.add.f32 [tilespmem:s9], [sflag:$0x1], $0x1, s16, s12, $0xb8;
	[tilespmem:$0x2B80] =	vst v63  }
.Ltmp0:
0x20: {  	_ = 	snop;
	(pc) =	sbr.rel @p0 .LBB2_2-.Ltmp0, $4  }
0x21: {  	_ = 	snop  }
0x22: {  	s15 =	sadd.s32 $0x200, s15  }
0x23: {  	_ =	swait.ge [sflag:s8], $0x80  }
0x24: {  	[sflag:s8] =	ssyncset.done $0x0  }
0x25: {  	s14 =	sadd.s32 $0x1, s14  }
0x26: {  	[sflag:s8] =	ssyncadd.s32 $0xFFFFFF80;
	p0 =	sne.s32 s14, s7  }
.Ltmp1:
0x27: {  	[bflag:$0x0] =	sbarrier.arrive $0xFFFF;
	(pc) =	sbr.rel @p0 .LBB2_1-.Ltmp1, $4  }
0x28: {  	[hbm:s13], [sflag:s10] =	dma.local [spmem:s11], $0x50  }
0x29: {  	_ =	swait.ge [sflag:s8], $0x50  }
0x2a: {  	[sflag:s8] =	ssyncset.done $0x0  }
0x2b: {  	[sflag:s8] =	ssyncadd.s32 $0xFFFFFFB0  }
0x2c: {  	_ =	sfence.sel $0x180000  }
0x2d: {  	[bflag:$0x0] =	sbarrier.arrive $0xFFFF  }
0x2e: {  	p0 =	sne.s32 s1, $0x0;
	_ =	strace $0x90000047  }
0x2f: {  	s0 =	sadd.s32 @!p0 $0x100000, s0;
	[bflag:$0x2] =	sbarrier.arrive $0xFFFF  }
0x30: {  	[sflag:s0] =	ssyncadd.tile.s32 @!p0 $0x1;
	_ =	shalt  }
.Lfunc_end2:
_tile_overlayer_lowered:
.L_overlay_start_2:
0x31: {  	(tag) =	ssettag $0x2  }
0x32: {  	s0 =	rddreg [dreg:$0x0];
	s2 =	stileid.u32  }
0x33: {  	s1 =	rddreg [dreg:$0x1];
	p0 =	sne.s32 s2, $0x0  }
0x34: {  	s3 =	rddreg [dreg:$0x2];
	[bflag:$0x3] =	sbarrier.arrive $0xFFFF;
	s2 =	simm.s32 @!p0 $0x1C01  }
0x35: {  	[timem:s3], [sflag:s2] =	dma.local @!p0 [hbm:s0], s1  }
0x36: {  	s0 =	simm.s32 @!p0 $0x1  }
0x37: {  	_ =	swait.ge @!p0 [sflag:s0], s1  }
0x38: {  	s1 =	ssub.s32 @!p0 $0x0, s1;
	[sflag:s0] =	ssyncset.done @!p0 $0x0  }
0x39: {  	[sflag:s0] =	ssyncadd.s32 @!p0 s1  }
0x3a: {  	[bflag:$0x3] =	sbarrier.arrive $0xFFFF  }
0x3b: {  	_ =	shalt  }

</sc_bundles>
